<compile_context>
chip_gen: v7x
topology: tpu7x:2x2x1
jax: 0.10.2.dev20260603
libtpu: 0.0.44.dev20260713+nightly
codegen_flags: <defaults>
</compile_context>

<pallas_src>
import functools

import jax
import jax.numpy as jnp
from jax import lax
from jax.experimental import pallas as pl
from jax.experimental.pallas import tpu as pltpu
from jax.experimental.pallas import tpu_sc as plsc

_S, _B, _D = 2048, 4, 2048
_NW = 32
_S_PER_W = _S // _NW
_CH = 2
_NBUF = 4
_NCH = _S_PER_W // _CH
_NGRP = _NCH // _NBUF
_L = 16


def _sc_body(x_hbm, w_hbm, o_hbm,
             xb0, xb1, xb2, xb3, wb0, wb1, wb2, wb3,
             si0, si1, si2, si3, so0, so1, so2, so3):
    xbufs = (xb0, xb1, xb2, xb3)
    wbufs = (wb0, wb1, wb2, wb3)
    sin = (si0, si1, si2, si3)
    sout = (so0, so1, so2, so3)

    wid = lax.axis_index("c") * 16 + lax.axis_index("s")
    base0 = wid * _S_PER_W

    def start_in(c, p):
        base = base0 + c * _CH
        pltpu.make_async_copy(x_hbm.at[pl.ds(base, _CH)], xbufs[p], sin[p]).start()
        pltpu.make_async_copy(w_hbm.at[pl.ds(base, _CH)], wbufs[p], sin[p]).start()

    def wait_in(c, p):
        base = base0 + c * _CH
        pltpu.make_async_copy(x_hbm.at[pl.ds(base, _CH)], xbufs[p], sin[p]).wait()
        pltpu.make_async_copy(w_hbm.at[pl.ds(base, _CH)], wbufs[p], sin[p]).wait()

    def start_out(c, p):
        base = base0 + c * _CH
        pltpu.make_async_copy(xbufs[p], o_hbm.at[pl.ds(base, _CH)], sout[p]).start()

    def wait_out(c, p):
        base = base0 + c * _CH
        pltpu.make_async_copy(xbufs[p], o_hbm.at[pl.ds(base, _CH)], sout[p]).wait()

    def compute(p):
        xb, wb = xbufs[p], wbufs[p]

        def col(i, carry):
            off = i * _L
            for s in range(_CH):
                w = wb[s, pl.ds(off, _L)]
                for b in range(_B):
                    plsc.addupdate(xb.at[s, b, pl.ds(off, _L)], w)
            return carry

        lax.fori_loop(0, _D // _L, col, 0, unroll=2)

    start_in(0, 0)
    start_in(1, 1)

    def group(g, carry):
        for k in range(_NBUF):
            c = g * _NBUF + k
            p2 = (k + 2) % _NBUF
            if k < 2:
                @pl.when(g > 0)
                def _():
                    wait_out(c - 2, p2)
                start_in(c + 2, p2)
            else:
                wait_out(c - 2, p2)

                @pl.when(g < _NGRP - 1)
                def _():
                    start_in(c + 2, p2)
            wait_in(c, k)
            compute(k)
            start_out(c, k)
        return carry

    lax.fori_loop(0, _NGRP, group, 0)

    wait_out(_NCH - 2, 2)
    wait_out(_NCH - 1, 3)


def kernel(x, W):
    mesh = plsc.VectorSubcoreMesh(core_axis_name="c", subcore_axis_name="s")
    k = functools.partial(
        pl.kernel,
        mesh=mesh,
        out_type=jax.ShapeDtypeStruct((_S, _B, _D), jnp.float32),
        scratch_types=(
            [pltpu.VMEM((_CH, _B, _D), jnp.float32) for _ in range(_NBUF)]
            + [pltpu.VMEM((_CH, _D), jnp.float32) for _ in range(_NBUF)]
            + [pltpu.SemaphoreType.DMA for _ in range(2 * _NBUF)]
        ),
    )(_sc_body)
    return k(x, W)

# --- scband reference (transcript-rebuilt; emitter-appended) ---
"""Pipeline reference for scband-learnable-positional-encoding-91242285236736 (READ-ONLY COPY).

The authoritative reference and input builder live on the scoring server;
editing this copy changes nothing except your own understanding.
"""

import jax, jax.numpy as jnp
import numpy as np

D_MODEL = 2048
MAX_LEN = 2048
SEQ_LEN = 2048
BATCH = 4

def setup_inputs(seed: int = 0) -> dict:
    key = jax.random.key(seed)
    k1, k2 = jax.random.split(key)
    x = jax.random.normal(k1, (SEQ_LEN, BATCH, D_MODEL), dtype=jnp.float32)
    # learned positional embedding table, nn.Embedding default init ~ N(0,1)
    W = jax.random.normal(k2, (MAX_LEN, D_MODEL), dtype=jnp.float32)
    return {"x": x, "W": W}

def reference(x, W):
    # positions = arange(seq_len); pe = embeddings(positions).unsqueeze(1); x + pe
    positions = jnp.arange(x.shape[0])
    pe = jnp.take(W, positions, axis=0)  # [seq_len, d_model]
    pe = pe[:, None, :]                  # [seq_len, 1, d_model]
    return x + pe

if __name__ == "__main__":
    import jax
    _d = setup_inputs()
    print(jax.jit(kernel)(*tuple(_d.values())))

</pallas_src>

<mosaic_0001>
#map = affine_map<(d0, d1) -> (0, 0, 0)>
#map1 = affine_map<(d0, d1) -> (0, 0)>
module attributes {stable_mosaic.version = 14 : i64} {
  func.func @_sc_body(%arg0: i32, %arg1: i32, %arg2: memref<2048x4x2048xf32, #tpu.memory_space<hbm>>, %arg3: memref<2048x2048xf32, #tpu.memory_space<hbm>>, %arg4: memref<2048x4x2048xf32, #tpu.memory_space<hbm>>, %arg5: memref<2x4x2048xf32, #tpu.memory_space<vmem>>, %arg6: memref<2x4x2048xf32, #tpu.memory_space<vmem>>, %arg7: memref<2x4x2048xf32, #tpu.memory_space<vmem>>, %arg8: memref<2x4x2048xf32, #tpu.memory_space<vmem>>, %arg9: memref<2x2048xf32, #tpu.memory_space<vmem>>, %arg10: memref<2x2048xf32, #tpu.memory_space<vmem>>, %arg11: memref<2x2048xf32, #tpu.memory_space<vmem>>, %arg12: memref<2x2048xf32, #tpu.memory_space<vmem>>, %arg13: memref<!tpu.dma_semaphore, #tpu.memory_space<semaphore_mem>>, %arg14: memref<!tpu.dma_semaphore, #tpu.memory_space<semaphore_mem>>, %arg15: memref<!tpu.dma_semaphore, #tpu.memory_space<semaphore_mem>>, %arg16: memref<!tpu.dma_semaphore, #tpu.memory_space<semaphore_mem>>, %arg17: memref<!tpu.dma_semaphore, #tpu.memory_space<semaphore_mem>>, %arg18: memref<!tpu.dma_semaphore, #tpu.memory_space<semaphore_mem>>, %arg19: memref<!tpu.dma_semaphore, #tpu.memory_space<semaphore_mem>>, %arg20: memref<!tpu.dma_semaphore, #tpu.memory_space<semaphore_mem>>) attributes {dimension_semantics = [#tpu.dimension_semantics<core_parallel>, #tpu.dimension_semantics<subcore_parallel>], iteration_bounds = array<i64: 2, 16>, scalar_prefetch = 0 : i64, scratch_operands = 16 : i64, tpu.core_type = #tpu.core_type<sc_vector_subcore>, window_params = [{transform_indices = #map}, {transform_indices = #map1}, {transform_indices = #map}]} {
    %mul3A = arith.constant 16 : i32
    %mul3A_0 = arith.muli %arg0, %mul3A : i32
    %add3A = arith.addi %mul3A_0, %arg1 : i32
    %mul3A_1 = arith.constant 64 : i32
    %mul3A_2 = arith.muli %add3A, %mul3A_1 : i32
    %add3A_3 = arith.constant 0 : i32
    %add3A_4 = arith.addi %mul3A_2, %add3A_3 : i32
    %dma_start3A = arith.constant 0 : i32
    %dma_start3A_5 = arith.constant 0 : i32
    %dma_start3A_6 = tpu.memref_slice %arg2[%add3A_4, %dma_start3A, %dma_start3A_5] : memref<2048x4x2048xf32, #tpu.memory_space<hbm>> -> memref<2x4x2048xf32, #tpu.memory_space<hbm>>
    %dma_start3A_7 = arith.constant 0 : i32
    %dma_start3A_8 = arith.constant 0 : i32
    %dma_start3A_9 = tpu.memref_slice %arg2[%add3A_4, %dma_start3A_7, %dma_start3A_8] : memref<2048x4x2048xf32, #tpu.memory_space<hbm>> -> memref<2x4x2048xf32, #tpu.memory_space<hbm>>
    tpu.enqueue_dma source(%dma_start3A_9 : memref<2x4x2048xf32, #tpu.memory_space<hbm>>) target(%arg5 : memref<2x4x2048xf32, #tpu.memory_space<vmem>>) target_semaphore(%arg13 : memref<!tpu.dma_semaphore, #tpu.memory_space<semaphore_mem>>)
    %dma_start3A_10 = arith.constant 0 : i32
    %dma_start3A_11 = tpu.memref_slice %arg3[%add3A_4, %dma_start3A_10] : memref<2048x2048xf32, #tpu.memory_space<hbm>> -> memref<2x2048xf32, #tpu.memory_space<hbm>>
    %dma_start3A_12 = arith.constant 0 : i32
    %dma_start3A_13 = tpu.memref_slice %arg3[%add3A_4, %dma_start3A_12] : memref<2048x2048xf32, #tpu.memory_space<hbm>> -> memref<2x2048xf32, #tpu.memory_space<hbm>>
    tpu.enqueue_dma source(%dma_start3A_13 : memref<2x2048xf32, #tpu.memory_space<hbm>>) target(%arg9 : memref<2x2048xf32, #tpu.memory_space<vmem>>) target_semaphore(%arg13 : memref<!tpu.dma_semaphore, #tpu.memory_space<semaphore_mem>>)
    %add3A_14 = arith.constant 2 : i32
    %add3A_15 = arith.addi %mul3A_2, %add3A_14 : i32
    %dma_start3A_16 = arith.constant 0 : i32
    %dma_start3A_17 = arith.constant 0 : i32
    %dma_start3A_18 = tpu.memref_slice %arg2[%add3A_15, %dma_start3A_16, %dma_start3A_17] : memref<2048x4x2048xf32, #tpu.memory_space<hbm>> -> memref<2x4x2048xf32, #tpu.memory_space<hbm>>
    %dma_start3A_19 = arith.constant 0 : i32
    %dma_start3A_20 = arith.constant 0 : i32
    %dma_start3A_21 = tpu.memref_slice %arg2[%add3A_15, %dma_start3A_19, %dma_start3A_20] : memref<2048x4x2048xf32, #tpu.memory_space<hbm>> -> memref<2x4x2048xf32, #tpu.memory_space<hbm>>
    tpu.enqueue_dma source(%dma_start3A_21 : memref<2x4x2048xf32, #tpu.memory_space<hbm>>) target(%arg6 : memref<2x4x2048xf32, #tpu.memory_space<vmem>>) target_semaphore(%arg14 : memref<!tpu.dma_semaphore, #tpu.memory_space<semaphore_mem>>)
    %dma_start3A_22 = arith.constant 0 : i32
    %dma_start3A_23 = tpu.memref_slice %arg3[%add3A_15, %dma_start3A_22] : memref<2048x2048xf32, #tpu.memory_space<hbm>> -> memref<2x2048xf32, #tpu.memory_space<hbm>>
    %dma_start3A_24 = arith.constant 0 : i32
    %dma_start3A_25 = tpu.memref_slice %arg3[%add3A_15, %dma_start3A_24] : memref<2048x2048xf32, #tpu.memory_space<hbm>> -> memref<2x2048xf32, #tpu.memory_space<hbm>>
    tpu.enqueue_dma source(%dma_start3A_25 : memref<2x2048xf32, #tpu.memory_space<hbm>>) target(%arg10 : memref<2x2048xf32, #tpu.memory_space<vmem>>) target_semaphore(%arg14 : memref<!tpu.dma_semaphore, #tpu.memory_space<semaphore_mem>>)
    %scan3A = arith.constant 0 : i32
    %scan3A_26 = arith.constant 0 : i32
    %scan3A_27 = arith.constant 8 : i32
    %scan3A_28 = arith.addi %scan3A_26, %scan3A_27 : i32
    %scan3A_29 = arith.constant 1 : i32
    scf.for %scan3A_46 = %scan3A_26 to %scan3A_28 step %scan3A_29  : i32 {
      %mul3A_47 = arith.constant 4 : i32
      %mul3A_48 = arith.muli %scan3A_46, %mul3A_47 : i32
      %add3A_49 = arith.constant 0 : i32
      %add3A_50 = arith.addi %mul3A_48, %add3A_49 : i32
      %gt3A = arith.constant 0 : i32
      %gt3A_51 = arith.cmpi sgt, %scan3A_46, %gt3A : i32
      %convert_element_type3A = arith.extui %gt3A_51 : i1 to i32
      %cond3A = arith.constant 0 : i32
      %cond3A_52 = arith.cmpi ne, %convert_element_type3A, %cond3A : i32
      scf.if %cond3A_52 {
        %sub3A_242 = arith.constant 2 : i32
        %sub3A_243 = arith.subi %add3A_50, %sub3A_242 : i32
        %mul3A_244 = arith.constant 2 : i32
        %mul3A_245 = arith.muli %sub3A_243, %mul3A_244 : i32
        %add3A_246 = arith.addi %mul3A_2, %mul3A_245 : i32
        %dma_wait3A_247 = arith.constant 0 : i32
        %dma_wait3A_248 = arith.constant 0 : i32
        %dma_wait3A_249 = tpu.memref_slice %arg4[%add3A_246, %dma_wait3A_247, %dma_wait3A_248] : memref<2048x4x2048xf32, #tpu.memory_space<hbm>> -> memref<2x4x2048xf32, #tpu.memory_space<hbm>>
        %dma_wait3A_250 = arith.constant 0 : i32
        %dma_wait3A_251 = arith.constant 0 : i32
        %dma_wait3A_252 = tpu.memref_slice %arg4[%add3A_246, %dma_wait3A_250, %dma_wait3A_251] : memref<2048x4x2048xf32, #tpu.memory_space<hbm>> -> memref<2x4x2048xf32, #tpu.memory_space<hbm>>
        tpu.wait_dma2 semaphore(%arg19 : memref<!tpu.dma_semaphore, #tpu.memory_space<semaphore_mem>>) src(%arg7 : memref<2x4x2048xf32, #tpu.memory_space<vmem>>) dst(%dma_wait3A_252 : memref<2x4x2048xf32, #tpu.memory_space<hbm>>)
      } else {
      }
      %add3A_53 = arith.constant 2 : i32
      %add3A_54 = arith.addi %add3A_50, %add3A_53 : i32
      %mul3A_55 = arith.constant 2 : i32
      %mul3A_56 = arith.muli %add3A_54, %mul3A_55 : i32
      %add3A_57 = arith.addi %mul3A_2, %mul3A_56 : i32
      %dma_start3A_58 = arith.constant 0 : i32
      %dma_start3A_59 = arith.constant 0 : i32
      %dma_start3A_60 = tpu.memref_slice %arg2[%add3A_57, %dma_start3A_58, %dma_start3A_59] : memref<2048x4x2048xf32, #tpu.memory_space<hbm>> -> memref<2x4x2048xf32, #tpu.memory_space<hbm>>
      %dma_start3A_61 = arith.constant 0 : i32
      %dma_start3A_62 = arith.constant 0 : i32
      %dma_start3A_63 = tpu.memref_slice %arg2[%add3A_57, %dma_start3A_61, %dma_start3A_62] : memref<2048x4x2048xf32, #tpu.memory_space<hbm>> -> memref<2x4x2048xf32, #tpu.memory_space<hbm>>
      tpu.enqueue_dma source(%dma_start3A_63 : memref<2x4x2048xf32, #tpu.memory_space<hbm>>) target(%arg7 : memref<2x4x2048xf32, #tpu.memory_space<vmem>>) target_semaphore(%arg15 : memref<!tpu.dma_semaphore, #tpu.memory_space<semaphore_mem>>)
      %dma_start3A_64 = arith.constant 0 : i32
      %dma_start3A_65 = tpu.memref_slice %arg3[%add3A_57, %dma_start3A_64] : memref<2048x2048xf32, #tpu.memory_space<hbm>> -> memref<2x2048xf32, #tpu.memory_space<hbm>>
      %dma_start3A_66 = arith.constant 0 : i32
      %dma_start3A_67 = tpu.memref_slice %arg3[%add3A_57, %dma_start3A_66] : memref<2048x2048xf32, #tpu.memory_space<hbm>> -> memref<2x2048xf32, #tpu.memory_space<hbm>>
      tpu.enqueue_dma source(%dma_start3A_67 : memref<2x2048xf32, #tpu.memory_space<hbm>>) target(%arg11 : memref<2x2048xf32, #tpu.memory_space<vmem>>) target_semaphore(%arg15 : memref<!tpu.dma_semaphore, #tpu.memory_space<semaphore_mem>>)
      %mul3A_68 = arith.constant 2 : i32
      %mul3A_69 = arith.muli %add3A_50, %mul3A_68 : i32
      %add3A_70 = arith.addi %mul3A_2, %mul3A_69 : i32
      %dma_wait3A_71 = arith.constant 0 : i32
      %dma_wait3A_72 = arith.constant 0 : i32
      %dma_wait3A_73 = tpu.memref_slice %arg2[%add3A_70, %dma_wait3A_71, %dma_wait3A_72] : memref<2048x4x2048xf32, #tpu.memory_space<hbm>> -> memref<2x4x2048xf32, #tpu.memory_space<hbm>>
      %dma_wait3A_74 = arith.constant 0 : i32
      %dma_wait3A_75 = arith.constant 0 : i32
      %dma_wait3A_76 = tpu.memref_slice %arg2[%add3A_70, %dma_wait3A_74, %dma_wait3A_75] : memref<2048x4x2048xf32, #tpu.memory_space<hbm>> -> memref<2x4x2048xf32, #tpu.memory_space<hbm>>
      tpu.wait_dma2 semaphore(%arg13 : memref<!tpu.dma_semaphore, #tpu.memory_space<semaphore_mem>>) src(%dma_wait3A_76 : memref<2x4x2048xf32, #tpu.memory_space<hbm>>) dst(%arg5 : memref<2x4x2048xf32, #tpu.memory_space<vmem>>)
      %dma_wait3A_77 = arith.constant 0 : i32
      %dma_wait3A_78 = tpu.memref_slice %arg3[%add3A_70, %dma_wait3A_77] : memref<2048x2048xf32, #tpu.memory_space<hbm>> -> memref<2x2048xf32, #tpu.memory_space<hbm>>
      %dma_wait3A_79 = arith.constant 0 : i32
      %dma_wait3A_80 = tpu.memref_slice %arg3[%add3A_70, %dma_wait3A_79] : memref<2048x2048xf32, #tpu.memory_space<hbm>> -> memref<2x2048xf32, #tpu.memory_space<hbm>>
      tpu.wait_dma2 semaphore(%arg13 : memref<!tpu.dma_semaphore, #tpu.memory_space<semaphore_mem>>) src(%dma_wait3A_80 : memref<2x2048xf32, #tpu.memory_space<hbm>>) dst(%arg9 : memref<2x2048xf32, #tpu.memory_space<vmem>>)
      %scan3A_81 = arith.constant 0 : i32
      %scan3A_82 = arith.constant 0 : i32
      %scan3A_83 = arith.constant 128 : i32
      %scan3A_84 = arith.addi %scan3A_82, %scan3A_83 : i32
      %scan3A_85 = arith.constant 2 : i32
      scf.for %scan3A_242 = %scan3A_82 to %scan3A_84 step %scan3A_85  : i32 {
        %mul3A_243 = arith.constant 16 : i32
        %mul3A_244 = arith.muli %scan3A_242, %mul3A_243 : i32
        %get3A = arith.constant 0 : i32
        %get3A_245 = arith.index_cast %get3A : i32 to index
        %get3A_246 = arith.index_cast %mul3A_244 : i32 to index
        %get3A_247 = tpu.vector_load %arg9[%get3A_245, %get3A_246] {strides = array<i32>} : memref<2x2048xf32, #tpu.memory_space<vmem>>, vector<1x16xf32>,
        %get3A_248 = vector.shape_cast %get3A_247 : vector<1x16xf32> to vector<16xf32>
        %swap3A = arith.constant 0 : i32
        %swap3A_249 = arith.constant 0 : i32
        %swap3A_250 = arith.index_cast %swap3A : i32 to index
        %swap3A_251 = arith.index_cast %swap3A_249 : i32 to index
        %swap3A_252 = arith.index_cast %mul3A_244 : i32 to index
        %swap3A_253 = tpu.vector_load %arg5[%swap3A_250, %swap3A_251, %swap3A_252] {strides = array<i32>} : memref<2x4x2048xf32, #tpu.memory_space<vmem>>, vector<1x1x16xf32>,
        %swap3A_254 = vector.shape_cast %swap3A_253 : vector<1x1x16xf32> to vector<16xf32>
        %swap3A_255 = vector.shape_cast %get3A_248 : vector<16xf32> to vector<1x1x16xf32>
        tpu.vector_store %arg5[%swap3A_250, %swap3A_251, %swap3A_252], %swap3A_255 {add = true, strides = array<i32>} : memref<2x4x2048xf32, #tpu.memory_space<vmem>>, vector<1x1x16xf32>,
        %swap3A_256 = arith.constant 0 : i32
        %swap3A_257 = arith.constant 1 : i32
        %swap3A_258 = arith.index_cast %swap3A_256 : i32 to index
        %swap3A_259 = arith.index_cast %swap3A_257 : i32 to index
        %swap3A_260 = arith.index_cast %mul3A_244 : i32 to index
        %swap3A_261 = tpu.vector_load %arg5[%swap3A_258, %swap3A_259, %swap3A_260] {strides = array<i32>} : memref<2x4x2048xf32, #tpu.memory_space<vmem>>, vector<1x1x16xf32>,
        %swap3A_262 = vector.shape_cast %swap3A_261 : vector<1x1x16xf32> to vector<16xf32>
        %swap3A_263 = vector.shape_cast %get3A_248 : vector<16xf32> to vector<1x1x16xf32>
        tpu.vector_store %arg5[%swap3A_258, %swap3A_259, %swap3A_260], %swap3A_263 {add = true, strides = array<i32>} : memref<2x4x2048xf32, #tpu.memory_space<vmem>>, vector<1x1x16xf32>,
        %swap3A_264 = arith.constant 0 : i32
        %swap3A_265 = arith.constant 2 : i32
        %swap3A_266 = arith.index_cast %swap3A_264 : i32 to index
        %swap3A_267 = arith.index_cast %swap3A_265 : i32 to index
        %swap3A_268 = arith.index_cast %mul3A_244 : i32 to index
        %swap3A_269 = tpu.vector_load %arg5[%swap3A_266, %swap3A_267, %swap3A_268] {strides = array<i32>} : memref<2x4x2048xf32, #tpu.memory_space<vmem>>, vector<1x1x16xf32>,
        %swap3A_270 = vector.shape_cast %swap3A_269 : vector<1x1x16xf32> to vector<16xf32>
        %swap3A_271 = vector.shape_cast %get3A_248 : vector<16xf32> to vector<1x1x16xf32>
        tpu.vector_store %arg5[%swap3A_266, %swap3A_267, %swap3A_268], %swap3A_271 {add = true, strides = array<i32>} : memref<2x4x2048xf32, #tpu.memory_space<vmem>>, vector<1x1x16xf32>,
        %swap3A_272 = arith.constant 0 : i32
        %swap3A_273 = arith.constant 3 : i32
        %swap3A_274 = arith.index_cast %swap3A_272 : i32 to index
        %swap3A_275 = arith.index_cast %swap3A_273 : i32 to index
        %swap3A_276 = arith.index_cast %mul3A_244 : i32 to index
        %swap3A_277 = tpu.vector_load %arg5[%swap3A_274, %swap3A_275, %swap3A_276] {strides = array<i32>} : memref<2x4x2048xf32, #tpu.memory_space<vmem>>, vector<1x1x16xf32>,
        %swap3A_278 = vector.shape_cast %swap3A_277 : vector<1x1x16xf32> to vector<16xf32>
        %swap3A_279 = vector.shape_cast %get3A_248 : vector<16xf32> to vector<1x1x16xf32>
        tpu.vector_store %arg5[%swap3A_274, %swap3A_275, %swap3A_276], %swap3A_279 {add = true, strides = array<i32>} : memref<2x4x2048xf32, #tpu.memory_space<vmem>>, vector<1x1x16xf32>,
        %get3A_280 = arith.constant 1 : i32
        %get3A_281 = arith.index_cast %get3A_280 : i32 to index
        %get3A_282 = arith.index_cast %mul3A_244 : i32 to index
        %get3A_283 = tpu.vector_load %arg9[%get3A_281, %get3A_282] {strides = array<i32>} : memref<2x2048xf32, #tpu.memory_space<vmem>>, vector<1x16xf32>,
        %get3A_284 = vector.shape_cast %get3A_283 : vector<1x16xf32> to vector<16xf32>
        %swap3A_285 = arith.constant 1 : i32
        %swap3A_286 = arith.constant 0 : i32
        %swap3A_287 = arith.index_cast %swap3A_285 : i32 to index
        %swap3A_288 = arith.index_cast %swap3A_286 : i32 to index
        %swap3A_289 = arith.index_cast %mul3A_244 : i32 to index
        %swap3A_290 = tpu.vector_load %arg5[%swap3A_287, %swap3A_288, %swap3A_289] {strides = array<i32>} : memref<2x4x2048xf32, #tpu.memory_space<vmem>>, vector<1x1x16xf32>,
        %swap3A_291 = vector.shape_cast %swap3A_290 : vector<1x1x16xf32> to vector<16xf32>
        %swap3A_292 = vector.shape_cast %get3A_284 : vector<16xf32> to vector<1x1x16xf32>
        tpu.vector_store %arg5[%swap3A_287, %swap3A_288, %swap3A_289], %swap3A_292 {add = true, strides = array<i32>} : memref<2x4x2048xf32, #tpu.memory_space<vmem>>, vector<1x1x16xf32>,
        %swap3A_293 = arith.constant 1 : i32
        %swap3A_294 = arith.constant 1 : i32
        %swap3A_295 = arith.index_cast %swap3A_293 : i32 to index
        %swap3A_296 = arith.index_cast %swap3A_294 : i32 to index
        %swap3A_297 = arith.index_cast %mul3A_244 : i32 to index
        %swap3A_298 = tpu.vector_load %arg5[%swap3A_295, %swap3A_296, %swap3A_297] {strides = array<i32>} : memref<2x4x2048xf32, #tpu.memory_space<vmem>>, vector<1x1x16xf32>,
        %swap3A_299 = vector.shape_cast %swap3A_298 : vector<1x1x16xf32> to vector<16xf32>
        %swap3A_300 = vector.shape_cast %get3A_284 : vector<16xf32> to vector<1x1x16xf32>
        tpu.vector_store %arg5[%swap3A_295, %swap3A_296, %swap3A_297], %swap3A_300 {add = true, strides = array<i32>} : memref<2x4x2048xf32, #tpu.memory_space<vmem>>, vector<1x1x16xf32>,
        %swap3A_301 = arith.constant 1 : i32
        %swap3A_302 = arith.constant 2 : i32
        %swap3A_303 = arith.index_cast %swap3A_301 : i32 to index
        %swap3A_304 = arith.index_cast %swap3A_302 : i32 to index
        %swap3A_305 = arith.index_cast %mul3A_244 : i32 to index
        %swap3A_306 = tpu.vector_load %arg5[%swap3A_303, %swap3A_304, %swap3A_305] {strides = array<i32>} : memref<2x4x2048xf32, #tpu.memory_space<vmem>>, vector<1x1x16xf32>,
        %swap3A_307 = vector.shape_cast %swap3A_306 : vector<1x1x16xf32> to vector<16xf32>
        %swap3A_308 = vector.shape_cast %get3A_284 : vector<16xf32> to vector<1x1x16xf32>
        tpu.vector_store %arg5[%swap3A_303, %swap3A_304, %swap3A_305], %swap3A_308 {add = true, strides = array<i32>} : memref<2x4x2048xf32, #tpu.memory_space<vmem>>, vector<1x1x16xf32>,
        %swap3A_309 = arith.constant 1 : i32
        %swap3A_310 = arith.constant 3 : i32
        %swap3A_311 = arith.index_cast %swap3A_309 : i32 to index
        %swap3A_312 = arith.index_cast %swap3A_310 : i32 to index
        %swap3A_313 = arith.index_cast %mul3A_244 : i32 to index
        %swap3A_314 = tpu.vector_load %arg5[%swap3A_311, %swap3A_312, %swap3A_313] {strides = array<i32>} : memref<2x4x2048xf32, #tpu.memory_space<vmem>>, vector<1x1x16xf32>,
        %swap3A_315 = vector.shape_cast %swap3A_314 : vector<1x1x16xf32> to vector<16xf32>
        %swap3A_316 = vector.shape_cast %get3A_284 : vector<16xf32> to vector<1x1x16xf32>
        tpu.vector_store %arg5[%swap3A_311, %swap3A_312, %swap3A_313], %swap3A_316 {add = true, strides = array<i32>} : memref<2x4x2048xf32, #tpu.memory_space<vmem>>, vector<1x1x16xf32>,
        %scan3A_317 = arith.constant 1 : i32
        %scan3A_318 = arith.addi %scan3A_242, %scan3A_317 : i32
        %mul3A_319 = arith.constant 16 : i32
        %mul3A_320 = arith.muli %scan3A_318, %mul3A_319 : i32
        %get3A_321 = arith.constant 0 : i32
        %get3A_322 = arith.index_cast %get3A_321 : i32 to index
        %get3A_323 = arith.index_cast %mul3A_320 : i32 to index
        %get3A_324 = tpu.vector_load %arg9[%get3A_322, %get3A_323] {strides = array<i32>} : memref<2x2048xf32, #tpu.memory_space<vmem>>, vector<1x16xf32>,
        %get3A_325 = vector.shape_cast %get3A_324 : vector<1x16xf32> to vector<16xf32>
        %swap3A_326 = arith.constant 0 : i32
        %swap3A_327 = arith.constant 0 : i32
        %swap3A_328 = arith.index_cast %swap3A_326 : i32 to index
        %swap3A_329 = arith.index_cast %swap3A_327 : i32 to index
        %swap3A_330 = arith.index_cast %mul3A_320 : i32 to index
        %swap3A_331 = tpu.vector_load %arg5[%swap3A_328, %swap3A_329, %swap3A_330] {strides = array<i32>} : memref<2x4x2048xf32, #tpu.memory_space<vmem>>, vector<1x1x16xf32>,
        %swap3A_332 = vector.shape_cast %swap3A_331 : vector<1x1x16xf32> to vector<16xf32>
        %swap3A_333 = vector.shape_cast %get3A_325 : vector<16xf32> to vector<1x1x16xf32>
        tpu.vector_store %arg5[%swap3A_328, %swap3A_329, %swap3A_330], %swap3A_333 {add = true, strides = array<i32>} : memref<2x4x2048xf32, #tpu.memory_space<vmem>>, vector<1x1x16xf32>,
        %swap3A_334 = arith.constant 0 : i32
        %swap3A_335 = arith.constant 1 : i32
        %swap3A_336 = arith.index_cast %swap3A_334 : i32 to index
        %swap3A_337 = arith.index_cast %swap3A_335 : i32 to index
        %swap3A_338 = arith.index_cast %mul3A_320 : i32 to index
        %swap3A_339 = tpu.vector_load %arg5[%swap3A_336, %swap3A_337, %swap3A_338] {strides = array<i32>} : memref<2x4x2048xf32, #tpu.memory_space<vmem>>, vector<1x1x16xf32>,
        %swap3A_340 = vector.shape_cast %swap3A_339 : vector<1x1x16xf32> to vector<16xf32>
        %swap3A_341 = vector.shape_cast %get3A_325 : vector<16xf32> to vector<1x1x16xf32>
        tpu.vector_store %arg5[%swap3A_336, %swap3A_337, %swap3A_338], %swap3A_341 {add = true, strides = array<i32>} : memref<2x4x2048xf32, #tpu.memory_space<vmem>>, vector<1x1x16xf32>,
        %swap3A_342 = arith.constant 0 : i32
        %swap3A_343 = arith.constant 2 : i32
        %swap3A_344 = arith.index_cast %swap3A_342 : i32 to index
        %swap3A_345 = arith.index_cast %swap3A_343 : i32 to index
        %swap3A_346 = arith.index_cast %mul3A_320 : i32 to index
        %swap3A_347 = tpu.vector_load %arg5[%swap3A_344, %swap3A_345, %swap3A_346] {strides = array<i32>} : memref<2x4x2048xf32, #tpu.memory_space<vmem>>, vector<1x1x16xf32>,
        %swap3A_348 = vector.shape_cast %swap3A_347 : vector<1x1x16xf32> to vector<16xf32>
        %swap3A_349 = vector.shape_cast %get3A_325 : vector<16xf32> to vector<1x1x16xf32>
        tpu.vector_store %arg5[%swap3A_344, %swap3A_345, %swap3A_346], %swap3A_349 {add = true, strides = array<i32>} : memref<2x4x2048xf32, #tpu.memory_space<vmem>>, vector<1x1x16xf32>,
        %swap3A_350 = arith.constant 0 : i32
        %swap3A_351 = arith.constant 3 : i32
        %swap3A_352 = arith.index_cast %swap3A_350 : i32 to index
        %swap3A_353 = arith.index_cast %swap3A_351 : i32 to index
        %swap3A_354 = arith.index_cast %mul3A_320 : i32 to index
        %swap3A_355 = tpu.vector_load %arg5[%swap3A_352, %swap3A_353, %swap3A_354] {strides = array<i32>} : memref<2x4x2048xf32, #tpu.memory_space<vmem>>, vector<1x1x16xf32>,
        %swap3A_356 = vector.shape_cast %swap3A_355 : vector<1x1x16xf32> to vector<16xf32>
        %swap3A_357 = vector.shape_cast %get3A_325 : vector<16xf32> to vector<1x1x16xf32>
        tpu.vector_store %arg5[%swap3A_352, %swap3A_353, %swap3A_354], %swap3A_357 {add = true, strides = array<i32>} : memref<2x4x2048xf32, #tpu.memory_space<vmem>>, vector<1x1x16xf32>,
        %get3A_358 = arith.constant 1 : i32
        %get3A_359 = arith.index_cast %get3A_358 : i32 to index
        %get3A_360 = arith.index_cast %mul3A_320 : i32 to index
        %get3A_361 = tpu.vector_load %arg9[%get3A_359, %get3A_360] {strides = array<i32>} : memref<2x2048xf32, #tpu.memory_space<vmem>>, vector<1x16xf32>,
        %get3A_362 = vector.shape_cast %get3A_361 : vector<1x16xf32> to vector<16xf32>
        %swap3A_363 = arith.constant 1 : i32
        %swap3A_364 = arith.constant 0 : i32
        %swap3A_365 = arith.index_cast %swap3A_363 : i32 to index
        %swap3A_366 = arith.index_cast %swap3A_364 : i32 to index
        %swap3A_367 = arith.index_cast %mul3A_320 : i32 to index
        %swap3A_368 = tpu.vector_load %arg5[%swap3A_365, %swap3A_366, %swap3A_367] {strides = array<i32>} : memref<2x4x2048xf32, #tpu.memory_space<vmem>>, vector<1x1x16xf32>,
        %swap3A_369 = vector.shape_cast %swap3A_368 : vector<1x1x16xf32> to vector<16xf32>
        %swap3A_370 = vector.shape_cast %get3A_362 : vector<16xf32> to vector<1x1x16xf32>
        tpu.vector_store %arg5[%swap3A_365, %swap3A_366, %swap3A_367], %swap3A_370 {add = true, strides = array<i32>} : memref<2x4x2048xf32, #tpu.memory_space<vmem>>, vector<1x1x16xf32>,
        %swap3A_371 = arith.constant 1 : i32
        %swap3A_372 = arith.constant 1 : i32
        %swap3A_373 = arith.index_cast %swap3A_371 : i32 to index
        %swap3A_374 = arith.index_cast %swap3A_372 : i32 to index
        %swap3A_375 = arith.index_cast %mul3A_320 : i32 to index
        %swap3A_376 = tpu.vector_load %arg5[%swap3A_373, %swap3A_374, %swap3A_375] {strides = array<i32>} : memref<2x4x2048xf32, #tpu.memory_space<vmem>>, vector<1x1x16xf32>,
        %swap3A_377 = vector.shape_cast %swap3A_376 : vector<1x1x16xf32> to vector<16xf32>
        %swap3A_378 = vector.shape_cast %get3A_362 : vector<16xf32> to vector<1x1x16xf32>
        tpu.vector_store %arg5[%swap3A_373, %swap3A_374, %swap3A_375], %swap3A_378 {add = true, strides = array<i32>} : memref<2x4x2048xf32, #tpu.memory_space<vmem>>, vector<1x1x16xf32>,
        %swap3A_379 = arith.constant 1 : i32
        %swap3A_380 = arith.constant 2 : i32
        %swap3A_381 = arith.index_cast %swap3A_379 : i32 to index
        %swap3A_382 = arith.index_cast %swap3A_380 : i32 to index
        %swap3A_383 = arith.index_cast %mul3A_320 : i32 to index
        %swap3A_384 = tpu.vector_load %arg5[%swap3A_381, %swap3A_382, %swap3A_383] {strides = array<i32>} : memref<2x4x2048xf32, #tpu.memory_space<vmem>>, vector<1x1x16xf32>,
        %swap3A_385 = vector.shape_cast %swap3A_384 : vector<1x1x16xf32> to vector<16xf32>
        %swap3A_386 = vector.shape_cast %get3A_362 : vector<16xf32> to vector<1x1x16xf32>
        tpu.vector_store %arg5[%swap3A_381, %swap3A_382, %swap3A_383], %swap3A_386 {add = true, strides = array<i32>} : memref<2x4x2048xf32, #tpu.memory_space<vmem>>, vector<1x1x16xf32>,
        %swap3A_387 = arith.constant 1 : i32
        %swap3A_388 = arith.constant 3 : i32
        %swap3A_389 = arith.index_cast %swap3A_387 : i32 to index
        %swap3A_390 = arith.index_cast %swap3A_388 : i32 to index
        %swap3A_391 = arith.index_cast %mul3A_320 : i32 to index
        %swap3A_392 = tpu.vector_load %arg5[%swap3A_389, %swap3A_390, %swap3A_391] {strides = array<i32>} : memref<2x4x2048xf32, #tpu.memory_space<vmem>>, vector<1x1x16xf32>,
        %swap3A_393 = vector.shape_cast %swap3A_392 : vector<1x1x16xf32> to vector<16xf32>
        %swap3A_394 = vector.shape_cast %get3A_362 : vector<16xf32> to vector<1x1x16xf32>
        tpu.vector_store %arg5[%swap3A_389, %swap3A_390, %swap3A_391], %swap3A_394 {add = true, strides = array<i32>} : memref<2x4x2048xf32, #tpu.memory_space<vmem>>, vector<1x1x16xf32>,
      }
      %scan3A_86 = arith.constant 128 : i32
      %mul3A_87 = arith.constant 2 : i32
      %mul3A_88 = arith.muli %add3A_50, %mul3A_87 : i32
      %add3A_89 = arith.addi %mul3A_2, %mul3A_88 : i32
      %dma_start3A_90 = arith.constant 0 : i32
      %dma_start3A_91 = arith.constant 0 : i32
      %dma_start3A_92 = tpu.memref_slice %arg4[%add3A_89, %dma_start3A_90, %dma_start3A_91] : memref<2048x4x2048xf32, #tpu.memory_space<hbm>> -> memref<2x4x2048xf32, #tpu.memory_space<hbm>>
      %dma_start3A_93 = arith.constant 0 : i32
      %dma_start3A_94 = arith.constant 0 : i32
      %dma_start3A_95 = tpu.memref_slice %arg4[%add3A_89, %dma_start3A_93, %dma_start3A_94] : memref<2048x4x2048xf32, #tpu.memory_space<hbm>> -> memref<2x4x2048xf32, #tpu.memory_space<hbm>>
      tpu.enqueue_dma source(%arg5 : memref<2x4x2048xf32, #tpu.memory_space<vmem>>) target(%dma_start3A_95 : memref<2x4x2048xf32, #tpu.memory_space<hbm>>) target_semaphore(%arg17 : memref<!tpu.dma_semaphore, #tpu.memory_space<semaphore_mem>>)
      %mul3A_96 = arith.constant 4 : i32
      %mul3A_97 = arith.muli %scan3A_46, %mul3A_96 : i32
      %add3A_98 = arith.constant 1 : i32
      %add3A_99 = arith.addi %mul3A_97, %add3A_98 : i32
      %gt3A_100 = arith.constant 0 : i32
      %gt3A_101 = arith.cmpi sgt, %scan3A_46, %gt3A_100 : i32
      %convert_element_type3A_102 = arith.extui %gt3A_101 : i1 to i32
      %cond3A_103 = arith.constant 0 : i32
      %cond3A_104 = arith.cmpi ne, %convert_element_type3A_102, %cond3A_103 : i32
      scf.if %cond3A_104 {
        %sub3A_242 = arith.constant 2 : i32
        %sub3A_243 = arith.subi %add3A_99, %sub3A_242 : i32
        %mul3A_244 = arith.constant 2 : i32
        %mul3A_245 = arith.muli %sub3A_243, %mul3A_244 : i32
        %add3A_246 = arith.addi %mul3A_2, %mul3A_245 : i32
        %dma_wait3A_247 = arith.constant 0 : i32
        %dma_wait3A_248 = arith.constant 0 : i32
        %dma_wait3A_249 = tpu.memref_slice %arg4[%add3A_246, %dma_wait3A_247, %dma_wait3A_248] : memref<2048x4x2048xf32, #tpu.memory_space<hbm>> -> memref<2x4x2048xf32, #tpu.memory_space<hbm>>
        %dma_wait3A_250 = arith.constant 0 : i32
        %dma_wait3A_251 = arith.constant 0 : i32
        %dma_wait3A_252 = tpu.memref_slice %arg4[%add3A_246, %dma_wait3A_250, %dma_wait3A_251] : memref<2048x4x2048xf32, #tpu.memory_space<hbm>> -> memref<2x4x2048xf32, #tpu.memory_space<hbm>>
        tpu.wait_dma2 semaphore(%arg20 : memref<!tpu.dma_semaphore, #tpu.memory_space<semaphore_mem>>) src(%arg8 : memref<2x4x2048xf32, #tpu.memory_space<vmem>>) dst(%dma_wait3A_252 : memref<2x4x2048xf32, #tpu.memory_space<hbm>>)
      } else {
      }
      %add3A_105 = arith.constant 2 : i32
      %add3A_106 = arith.addi %add3A_99, %add3A_105 : i32
      %mul3A_107 = arith.constant 2 : i32
      %mul3A_108 = arith.muli %add3A_106, %mul3A_107 : i32
      %add3A_109 = arith.addi %mul3A_2, %mul3A_108 : i32
      %dma_start3A_110 = arith.constant 0 : i32
      %dma_start3A_111 = arith.constant 0 : i32
      %dma_start3A_112 = tpu.memref_slice %arg2[%add3A_109, %dma_start3A_110, %dma_start3A_111] : memref<2048x4x2048xf32, #tpu.memory_space<hbm>> -> memref<2x4x2048xf32, #tpu.memory_space<hbm>>
      %dma_start3A_113 = arith.constant 0 : i32
      %dma_start3A_114 = arith.constant 0 : i32
      %dma_start3A_115 = tpu.memref_slice %arg2[%add3A_109, %dma_start3A_113, %dma_start3A_114] : memref<2048x4x2048xf32, #tpu.memory_space<hbm>> -> memref<2x4x2048xf32, #tpu.memory_space<hbm>>
      tpu.enqueue_dma source(%dma_start3A_115 : memref<2x4x2048xf32, #tpu.memory_space<hbm>>) target(%arg8 : memref<2x4x2048xf32, #tpu.memory_space<vmem>>) target_semaphore(%arg16 : memref<!tpu.dma_semaphore, #tpu.memory_space<semaphore_mem>>)
      %dma_start3A_116 = arith.constant 0 : i32
      %dma_start3A_117 = tpu.memref_slice %arg3[%add3A_109, %dma_start3A_116] : memref<2048x2048xf32, #tpu.memory_space<hbm>> -> memref<2x2048xf32, #tpu.memory_space<hbm>>
      %dma_start3A_118 = arith.constant 0 : i32
      %dma_start3A_119 = tpu.memref_slice %arg3[%add3A_109, %dma_start3A_118] : memref<2048x2048xf32, #tpu.memory_space<hbm>> -> memref<2x2048xf32, #tpu.memory_space<hbm>>
      tpu.enqueue_dma source(%dma_start3A_119 : memref<2x2048xf32, #tpu.memory_space<hbm>>) target(%arg12 : memref<2x2048xf32, #tpu.memory_space<vmem>>) target_semaphore(%arg16 : memref<!tpu.dma_semaphore, #tpu.memory_space<semaphore_mem>>)
      %mul3A_120 = arith.constant 2 : i32
      %mul3A_121 = arith.muli %add3A_99, %mul3A_120 : i32
      %add3A_122 = arith.addi %mul3A_2, %mul3A_121 : i32
      %dma_wait3A_123 = arith.constant 0 : i32
      %dma_wait3A_124 = arith.constant 0 : i32
      %dma_wait3A_125 = tpu.memref_slice %arg2[%add3A_122, %dma_wait3A_123, %dma_wait3A_124] : memref<2048x4x2048xf32, #tpu.memory_space<hbm>> -> memref<2x4x2048xf32, #tpu.memory_space<hbm>>
      %dma_wait3A_126 = arith.constant 0 : i32
      %dma_wait3A_127 = arith.constant 0 : i32
      %dma_wait3A_128 = tpu.memref_slice %arg2[%add3A_122, %dma_wait3A_126, %dma_wait3A_127] : memref<2048x4x2048xf32, #tpu.memory_space<hbm>> -> memref<2x4x2048xf32, #tpu.memory_space<hbm>>
      tpu.wait_dma2 semaphore(%arg14 : memref<!tpu.dma_semaphore, #tpu.memory_space<semaphore_mem>>) src(%dma_wait3A_128 : memref<2x4x2048xf32, #tpu.memory_space<hbm>>) dst(%arg6 : memref<2x4x2048xf32, #tpu.memory_space<vmem>>)
      %dma_wait3A_129 = arith.constant 0 : i32
      %dma_wait3A_130 = tpu.memref_slice %arg3[%add3A_122, %dma_wait3A_129] : memref<2048x2048xf32, #tpu.memory_space<hbm>> -> memref<2x2048xf32, #tpu.memory_space<hbm>>
      %dma_wait3A_131 = arith.constant 0 : i32
      %dma_wait3A_132 = tpu.memref_slice %arg3[%add3A_122, %dma_wait3A_131] : memref<2048x2048xf32, #tpu.memory_space<hbm>> -> memref<2x2048xf32, #tpu.memory_space<hbm>>
      tpu.wait_dma2 semaphore(%arg14 : memref<!tpu.dma_semaphore, #tpu.memory_space<semaphore_mem>>) src(%dma_wait3A_132 : memref<2x2048xf32, #tpu.memory_space<hbm>>) dst(%arg10 : memref<2x2048xf32, #tpu.memory_space<vmem>>)
      %scan3A_133 = arith.constant 0 : i32
      %scan3A_134 = arith.constant 0 : i32
      %scan3A_135 = arith.constant 128 : i32
      %scan3A_136 = arith.addi %scan3A_134, %scan3A_135 : i32
      %scan3A_137 = arith.constant 2 : i32
      scf.for %scan3A_242 = %scan3A_134 to %scan3A_136 step %scan3A_137  : i32 {
        %mul3A_243 = arith.constant 16 : i32
        %mul3A_244 = arith.muli %scan3A_242, %mul3A_243 : i32
        %get3A = arith.constant 0 : i32
        %get3A_245 = arith.index_cast %get3A : i32 to index
        %get3A_246 = arith.index_cast %mul3A_244 : i32 to index
        %get3A_247 = tpu.vector_load %arg10[%get3A_245, %get3A_246] {strides = array<i32>} : memref<2x2048xf32, #tpu.memory_space<vmem>>, vector<1x16xf32>,
        %get3A_248 = vector.shape_cast %get3A_247 : vector<1x16xf32> to vector<16xf32>
        %swap3A = arith.constant 0 : i32
        %swap3A_249 = arith.constant 0 : i32
        %swap3A_250 = arith.index_cast %swap3A : i32 to index
        %swap3A_251 = arith.index_cast %swap3A_249 : i32 to index
        %swap3A_252 = arith.index_cast %mul3A_244 : i32 to index
        %swap3A_253 = tpu.vector_load %arg6[%swap3A_250, %swap3A_251, %swap3A_252] {strides = array<i32>} : memref<2x4x2048xf32, #tpu.memory_space<vmem>>, vector<1x1x16xf32>,
        %swap3A_254 = vector.shape_cast %swap3A_253 : vector<1x1x16xf32> to vector<16xf32>
        %swap3A_255 = vector.shape_cast %get3A_248 : vector<16xf32> to vector<1x1x16xf32>
        tpu.vector_store %arg6[%swap3A_250, %swap3A_251, %swap3A_252], %swap3A_255 {add = true, strides = array<i32>} : memref<2x4x2048xf32, #tpu.memory_space<vmem>>, vector<1x1x16xf32>,
        %swap3A_256 = arith.constant 0 : i32
        %swap3A_257 = arith.constant 1 : i32
        %swap3A_258 = arith.index_cast %swap3A_256 : i32 to index
        %swap3A_259 = arith.index_cast %swap3A_257 : i32 to index
        %swap3A_260 = arith.index_cast %mul3A_244 : i32 to index
        %swap3A_261 = tpu.vector_load %arg6[%swap3A_258, %swap3A_259, %swap3A_260] {strides = array<i32>} : memref<2x4x2048xf32, #tpu.memory_space<vmem>>, vector<1x1x16xf32>,
        %swap3A_262 = vector.shape_cast %swap3A_261 : vector<1x1x16xf32> to vector<16xf32>
        %swap3A_263 = vector.shape_cast %get3A_248 : vector<16xf32> to vector<1x1x16xf32>
        tpu.vector_store %arg6[%swap3A_258, %swap3A_259, %swap3A_260], %swap3A_263 {add = true, strides = array<i32>} : memref<2x4x2048xf32, #tpu.memory_space<vmem>>, vector<1x1x16xf32>,
        %swap3A_264 = arith.constant 0 : i32
        %swap3A_265 = arith.constant 2 : i32
        %swap3A_266 = arith.index_cast %swap3A_264 : i32 to index
        %swap3A_267 = arith.index_cast %swap3A_265 : i32 to index
        %swap3A_268 = arith.index_cast %mul3A_244 : i32 to index
        %swap3A_269 = tpu.vector_load %arg6[%swap3A_266, %swap3A_267, %swap3A_268] {strides = array<i32>} : memref<2x4x2048xf32, #tpu.memory_space<vmem>>, vector<1x1x16xf32>,
        %swap3A_270 = vector.shape_cast %swap3A_269 : vector<1x1x16xf32> to vector<16xf32>
        %swap3A_271 = vector.shape_cast %get3A_248 : vector<16xf32> to vector<1x1x16xf32>
        tpu.vector_store %arg6[%swap3A_266, %swap3A_267, %swap3A_268], %swap3A_271 {add = true, strides = array<i32>} : memref<2x4x2048xf32, #tpu.memory_space<vmem>>, vector<1x1x16xf32>,
        %swap3A_272 = arith.constant 0 : i32
        %swap3A_273 = arith.constant 3 : i32
        %swap3A_274 = arith.index_cast %swap3A_272 : i32 to index
        %swap3A_275 = arith.index_cast %swap3A_273 : i32 to index
        %swap3A_276 = arith.index_cast %mul3A_244 : i32 to index
        %swap3A_277 = tpu.vector_load %arg6[%swap3A_274, %swap3A_275, %swap3A_276] {strides = array<i32>} : memref<2x4x2048xf32, #tpu.memory_space<vmem>>, vector<1x1x16xf32>,
        %swap3A_278 = vector.shape_cast %swap3A_277 : vector<1x1x16xf32> to vector<16xf32>
        %swap3A_279 = vector.shape_cast %get3A_248 : vector<16xf32> to vector<1x1x16xf32>
        tpu.vector_store %arg6[%swap3A_274, %swap3A_275, %swap3A_276], %swap3A_279 {add = true, strides = array<i32>} : memref<2x4x2048xf32, #tpu.memory_space<vmem>>, vector<1x1x16xf32>,
        %get3A_280 = arith.constant 1 : i32
        %get3A_281 = arith.index_cast %get3A_280 : i32 to index
        %get3A_282 = arith.index_cast %mul3A_244 : i32 to index
        %get3A_283 = tpu.vector_load %arg10[%get3A_281, %get3A_282] {strides = array<i32>} : memref<2x2048xf32, #tpu.memory_space<vmem>>, vector<1x16xf32>,
        %get3A_284 = vector.shape_cast %get3A_283 : vector<1x16xf32> to vector<16xf32>
        %swap3A_285 = arith.constant 1 : i32
        %swap3A_286 = arith.constant 0 : i32
        %swap3A_287 = arith.index_cast %swap3A_285 : i32 to index
        %swap3A_288 = arith.index_cast %swap3A_286 : i32 to index
        %swap3A_289 = arith.index_cast %mul3A_244 : i32 to index
        %swap3A_290 = tpu.vector_load %arg6[%swap3A_287, %swap3A_288, %swap3A_289] {strides = array<i32>} : memref<2x4x2048xf32, #tpu.memory_space<vmem>>, vector<1x1x16xf32>,
        %swap3A_291 = vector.shape_cast %swap3A_290 : vector<1x1x16xf32> to vector<16xf32>
        %swap3A_292 = vector.shape_cast %get3A_284 : vector<16xf32> to vector<1x1x16xf32>
        tpu.vector_store %arg6[%swap3A_287, %swap3A_288, %swap3A_289], %swap3A_292 {add = true, strides = array<i32>} : memref<2x4x2048xf32, #tpu.memory_space<vmem>>, vector<1x1x16xf32>,
        %swap3A_293 = arith.constant 1 : i32
        %swap3A_294 = arith.constant 1 : i32
        %swap3A_295 = arith.index_cast %swap3A_293 : i32 to index
        %swap3A_296 = arith.index_cast %swap3A_294 : i32 to index
        %swap3A_297 = arith.index_cast %mul3A_244 : i32 to index
        %swap3A_298 = tpu.vector_load %arg6[%swap3A_295, %swap3A_296, %swap3A_297] {strides = array<i32>} : memref<2x4x2048xf32, #tpu.memory_space<vmem>>, vector<1x1x16xf32>,
        %swap3A_299 = vector.shape_cast %swap3A_298 : vector<1x1x16xf32> to vector<16xf32>
        %swap3A_300 = vector.shape_cast %get3A_284 : vector<16xf32> to vector<1x1x16xf32>
        tpu.vector_store %arg6[%swap3A_295, %swap3A_296, %swap3A_297], %swap3A_300 {add = true, strides = array<i32>} : memref<2x4x2048xf32, #tpu.memory_space<vmem>>, vector<1x1x16xf32>,
        %swap3A_301 = arith.constant 1 : i32
        %swap3A_302 = arith.constant 2 : i32
        %swap3A_303 = arith.index_cast %swap3A_301 : i32 to index
        %swap3A_304 = arith.index_cast %swap3A_302 : i32 to index
        %swap3A_305 = arith.index_cast %mul3A_244 : i32 to index
        %swap3A_306 = tpu.vector_load %arg6[%swap3A_303, %swap3A_304, %swap3A_305] {strides = array<i32>} : memref<2x4x2048xf32, #tpu.memory_space<vmem>>, vector<1x1x16xf32>,
        %swap3A_307 = vector.shape_cast %swap3A_306 : vector<1x1x16xf32> to vector<16xf32>
        %swap3A_308 = vector.shape_cast %get3A_284 : vector<16xf32> to vector<1x1x16xf32>
        tpu.vector_store %arg6[%swap3A_303, %swap3A_304, %swap3A_305], %swap3A_308 {add = true, strides = array<i32>} : memref<2x4x2048xf32, #tpu.memory_space<vmem>>, vector<1x1x16xf32>,
        %swap3A_309 = arith.constant 1 : i32
        %swap3A_310 = arith.constant 3 : i32
        %swap3A_311 = arith.index_cast %swap3A_309 : i32 to index
        %swap3A_312 = arith.index_cast %swap3A_310 : i32 to index
        %swap3A_313 = arith.index_cast %mul3A_244 : i32 to index
        %swap3A_314 = tpu.vector_load %arg6[%swap3A_311, %swap3A_312, %swap3A_313] {strides = array<i32>} : memref<2x4x2048xf32, #tpu.memory_space<vmem>>, vector<1x1x16xf32>,
        %swap3A_315 = vector.shape_cast %swap3A_314 : vector<1x1x16xf32> to vector<16xf32>
        %swap3A_316 = vector.shape_cast %get3A_284 : vector<16xf32> to vector<1x1x16xf32>
        tpu.vector_store %arg6[%swap3A_311, %swap3A_312, %swap3A_313], %swap3A_316 {add = true, strides = array<i32>} : memref<2x4x2048xf32, #tpu.memory_space<vmem>>, vector<1x1x16xf32>,
        %scan3A_317 = arith.constant 1 : i32
        %scan3A_318 = arith.addi %scan3A_242, %scan3A_317 : i32
        %mul3A_319 = arith.constant 16 : i32
        %mul3A_320 = arith.muli %scan3A_318, %mul3A_319 : i32
        %get3A_321 = arith.constant 0 : i32
        %get3A_322 = arith.index_cast %get3A_321 : i32 to index
        %get3A_323 = arith.index_cast %mul3A_320 : i32 to index
        %get3A_324 = tpu.vector_load %arg10[%get3A_322, %get3A_323] {strides = array<i32>} : memref<2x2048xf32, #tpu.memory_space<vmem>>, vector<1x16xf32>,
        %get3A_325 = vector.shape_cast %get3A_324 : vector<1x16xf32> to vector<16xf32>
        %swap3A_326 = arith.constant 0 : i32
        %swap3A_327 = arith.constant 0 : i32
        %swap3A_328 = arith.index_cast %swap3A_326 : i32 to index
        %swap3A_329 = arith.index_cast %swap3A_327 : i32 to index
        %swap3A_330 = arith.index_cast %mul3A_320 : i32 to index
        %swap3A_331 = tpu.vector_load %arg6[%swap3A_328, %swap3A_329, %swap3A_330] {strides = array<i32>} : memref<2x4x2048xf32, #tpu.memory_space<vmem>>, vector<1x1x16xf32>,
        %swap3A_332 = vector.shape_cast %swap3A_331 : vector<1x1x16xf32> to vector<16xf32>
        %swap3A_333 = vector.shape_cast %get3A_325 : vector<16xf32> to vector<1x1x16xf32>
        tpu.vector_store %arg6[%swap3A_328, %swap3A_329, %swap3A_330], %swap3A_333 {add = true, strides = array<i32>} : memref<2x4x2048xf32, #tpu.memory_space<vmem>>, vector<1x1x16xf32>,
        %swap3A_334 = arith.constant 0 : i32
        %swap3A_335 = arith.constant 1 : i32
        %swap3A_336 = arith.index_cast %swap3A_334 : i32 to index
        %swap3A_337 = arith.index_cast %swap3A_335 : i32 to index
        %swap3A_338 = arith.index_cast %mul3A_320 : i32 to index
        %swap3A_339 = tpu.vector_load %arg6[%swap3A_336, %swap3A_337, %swap3A_338] {strides = array<i32>} : memref<2x4x2048xf32, #tpu.memory_space<vmem>>, vector<1x1x16xf32>,
        %swap3A_340 = vector.shape_cast %swap3A_339 : vector<1x1x16xf32> to vector<16xf32>
        %swap3A_341 = vector.shape_cast %get3A_325 : vector<16xf32> to vector<1x1x16xf32>
        tpu.vector_store %arg6[%swap3A_336, %swap3A_337, %swap3A_338], %swap3A_341 {add = true, strides = array<i32>} : memref<2x4x2048xf32, #tpu.memory_space<vmem>>, vector<1x1x16xf32>,
        %swap3A_342 = arith.constant 0 : i32
        %swap3A_343 = arith.constant 2 : i32
        %swap3A_344 = arith.index_cast %swap3A_342 : i32 to index
        %swap3A_345 = arith.index_cast %swap3A_343 : i32 to index
        %swap3A_346 = arith.index_cast %mul3A_320 : i32 to index
        %swap3A_347 = tpu.vector_load %arg6[%swap3A_344, %swap3A_345, %swap3A_346] {strides = array<i32>} : memref<2x4x2048xf32, #tpu.memory_space<vmem>>, vector<1x1x16xf32>,
        %swap3A_348 = vector.shape_cast %swap3A_347 : vector<1x1x16xf32> to vector<16xf32>
        %swap3A_349 = vector.shape_cast %get3A_325 : vector<16xf32> to vector<1x1x16xf32>
        tpu.vector_store %arg6[%swap3A_344, %swap3A_345, %swap3A_346], %swap3A_349 {add = true, strides = array<i32>} : memref<2x4x2048xf32, #tpu.memory_space<vmem>>, vector<1x1x16xf32>,
        %swap3A_350 = arith.constant 0 : i32
        %swap3A_351 = arith.constant 3 : i32
        %swap3A_352 = arith.index_cast %swap3A_350 : i32 to index
        %swap3A_353 = arith.index_cast %swap3A_351 : i32 to index
        %swap3A_354 = arith.index_cast %mul3A_320 : i32 to index
        %swap3A_355 = tpu.vector_load %arg6[%swap3A_352, %swap3A_353, %swap3A_354] {strides = array<i32>} : memref<2x4x2048xf32, #tpu.memory_space<vmem>>, vector<1x1x16xf32>,
        %swap3A_356 = vector.shape_cast %swap3A_355 : vector<1x1x16xf32> to vector<16xf32>
        %swap3A_357 = vector.shape_cast %get3A_325 : vector<16xf32> to vector<1x1x16xf32>
        tpu.vector_store %arg6[%swap3A_352, %swap3A_353, %swap3A_354], %swap3A_357 {add = true, strides = array<i32>} : memref<2x4x2048xf32, #tpu.memory_space<vmem>>, vector<1x1x16xf32>,
        %get3A_358 = arith.constant 1 : i32
        %get3A_359 = arith.index_cast %get3A_358 : i32 to index
        %get3A_360 = arith.index_cast %mul3A_320 : i32 to index
        %get3A_361 = tpu.vector_load %arg10[%get3A_359, %get3A_360] {strides = array<i32>} : memref<2x2048xf32, #tpu.memory_space<vmem>>, vector<1x16xf32>,
        %get3A_362 = vector.shape_cast %get3A_361 : vector<1x16xf32> to vector<16xf32>
        %swap3A_363 = arith.constant 1 : i32
        %swap3A_364 = arith.constant 0 : i32
        %swap3A_365 = arith.index_cast %swap3A_363 : i32 to index
        %swap3A_366 = arith.index_cast %swap3A_364 : i32 to index
        %swap3A_367 = arith.index_cast %mul3A_320 : i32 to index
        %swap3A_368 = tpu.vector_load %arg6[%swap3A_365, %swap3A_366, %swap3A_367] {strides = array<i32>} : memref<2x4x2048xf32, #tpu.memory_space<vmem>>, vector<1x1x16xf32>,
        %swap3A_369 = vector.shape_cast %swap3A_368 : vector<1x1x16xf32> to vector<16xf32>
        %swap3A_370 = vector.shape_cast %get3A_362 : vector<16xf32> to vector<1x1x16xf32>
        tpu.vector_store %arg6[%swap3A_365, %swap3A_366, %swap3A_367], %swap3A_370 {add = true, strides = array<i32>} : memref<2x4x2048xf32, #tpu.memory_space<vmem>>, vector<1x1x16xf32>,
        %swap3A_371 = arith.constant 1 : i32
        %swap3A_372 = arith.constant 1 : i32
        %swap3A_373 = arith.index_cast %swap3A_371 : i32 to index
        %swap3A_374 = arith.index_cast %swap3A_372 : i32 to index
        %swap3A_375 = arith.index_cast %mul3A_320 : i32 to index
        %swap3A_376 = tpu.vector_load %arg6[%swap3A_373, %swap3A_374, %swap3A_375] {strides = array<i32>} : memref<2x4x2048xf32, #tpu.memory_space<vmem>>, vector<1x1x16xf32>,
        %swap3A_377 = vector.shape_cast %swap3A_376 : vector<1x1x16xf32> to vector<16xf32>
        %swap3A_378 = vector.shape_cast %get3A_362 : vector<16xf32> to vector<1x1x16xf32>
        tpu.vector_store %arg6[%swap3A_373, %swap3A_374, %swap3A_375], %swap3A_378 {add = true, strides = array<i32>} : memref<2x4x2048xf32, #tpu.memory_space<vmem>>, vector<1x1x16xf32>,
        %swap3A_379 = arith.constant 1 : i32
        %swap3A_380 = arith.constant 2 : i32
        %swap3A_381 = arith.index_cast %swap3A_379 : i32 to index
        %swap3A_382 = arith.index_cast %swap3A_380 : i32 to index
        %swap3A_383 = arith.index_cast %mul3A_320 : i32 to index
        %swap3A_384 = tpu.vector_load %arg6[%swap3A_381, %swap3A_382, %swap3A_383] {strides = array<i32>} : memref<2x4x2048xf32, #tpu.memory_space<vmem>>, vector<1x1x16xf32>,
        %swap3A_385 = vector.shape_cast %swap3A_384 : vector<1x1x16xf32> to vector<16xf32>
        %swap3A_386 = vector.shape_cast %get3A_362 : vector<16xf32> to vector<1x1x16xf32>
        tpu.vector_store %arg6[%swap3A_381, %swap3A_382, %swap3A_383], %swap3A_386 {add = true, strides = array<i32>} : memref<2x4x2048xf32, #tpu.memory_space<vmem>>, vector<1x1x16xf32>,
        %swap3A_387 = arith.constant 1 : i32
        %swap3A_388 = arith.constant 3 : i32
        %swap3A_389 = arith.index_cast %swap3A_387 : i32 to index
        %swap3A_390 = arith.index_cast %swap3A_388 : i32 to index
        %swap3A_391 = arith.index_cast %mul3A_320 : i32 to index
        %swap3A_392 = tpu.vector_load %arg6[%swap3A_389, %swap3A_390, %swap3A_391] {strides = array<i32>} : memref<2x4x2048xf32, #tpu.memory_space<vmem>>, vector<1x1x16xf32>,
        %swap3A_393 = vector.shape_cast %swap3A_392 : vector<1x1x16xf32> to vector<16xf32>
        %swap3A_394 = vector.shape_cast %get3A_362 : vector<16xf32> to vector<1x1x16xf32>
        tpu.vector_store %arg6[%swap3A_389, %swap3A_390, %swap3A_391], %swap3A_394 {add = true, strides = array<i32>} : memref<2x4x2048xf32, #tpu.memory_space<vmem>>, vector<1x1x16xf32>,
      }
      %scan3A_138 = arith.constant 128 : i32
      %mul3A_139 = arith.constant 2 : i32
      %mul3A_140 = arith.muli %add3A_99, %mul3A_139 : i32
      %add3A_141 = arith.addi %mul3A_2, %mul3A_140 : i32
      %dma_start3A_142 = arith.constant 0 : i32
      %dma_start3A_143 = arith.constant 0 : i32
      %dma_start3A_144 = tpu.memref_slice %arg4[%add3A_141, %dma_start3A_142, %dma_start3A_143] : memref<2048x4x2048xf32, #tpu.memory_space<hbm>> -> memref<2x4x2048xf32, #tpu.memory_space<hbm>>
      %dma_start3A_145 = arith.constant 0 : i32
      %dma_start3A_146 = arith.constant 0 : i32
      %dma_start3A_147 = tpu.memref_slice %arg4[%add3A_141, %dma_start3A_145, %dma_start3A_146] : memref<2048x4x2048xf32, #tpu.memory_space<hbm>> -> memref<2x4x2048xf32, #tpu.memory_space<hbm>>
      tpu.enqueue_dma source(%arg6 : memref<2x4x2048xf32, #tpu.memory_space<vmem>>) target(%dma_start3A_147 : memref<2x4x2048xf32, #tpu.memory_space<hbm>>) target_semaphore(%arg18 : memref<!tpu.dma_semaphore, #tpu.memory_space<semaphore_mem>>)
      %mul3A_148 = arith.constant 4 : i32
      %mul3A_149 = arith.muli %scan3A_46, %mul3A_148 : i32
      %add3A_150 = arith.constant 2 : i32
      %add3A_151 = arith.addi %mul3A_149, %add3A_150 : i32
      %sub3A = arith.constant 2 : i32
      %sub3A_152 = arith.subi %add3A_151, %sub3A : i32
      %mul3A_153 = arith.constant 2 : i32
      %mul3A_154 = arith.muli %sub3A_152, %mul3A_153 : i32
      %add3A_155 = arith.addi %mul3A_2, %mul3A_154 : i32
      %dma_wait3A_156 = arith.constant 0 : i32
      %dma_wait3A_157 = arith.constant 0 : i32
      %dma_wait3A_158 = tpu.memref_slice %arg4[%add3A_155, %dma_wait3A_156, %dma_wait3A_157] : memref<2048x4x2048xf32, #tpu.memory_space<hbm>> -> memref<2x4x2048xf32, #tpu.memory_space<hbm>>
      %dma_wait3A_159 = arith.constant 0 : i32
      %dma_wait3A_160 = arith.constant 0 : i32
      %dma_wait3A_161 = tpu.memref_slice %arg4[%add3A_155, %dma_wait3A_159, %dma_wait3A_160] : memref<2048x4x2048xf32, #tpu.memory_space<hbm>> -> memref<2x4x2048xf32, #tpu.memory_space<hbm>>
      tpu.wait_dma2 semaphore(%arg17 : memref<!tpu.dma_semaphore, #tpu.memory_space<semaphore_mem>>) src(%arg5 : memref<2x4x2048xf32, #tpu.memory_space<vmem>>) dst(%dma_wait3A_161 : memref<2x4x2048xf32, #tpu.memory_space<hbm>>)
      %lt3A = arith.constant 7 : i32
      %lt3A_162 = arith.cmpi slt, %scan3A_46, %lt3A : i32
      %convert_element_type3A_163 = arith.extui %lt3A_162 : i1 to i32
      %cond3A_164 = arith.constant 0 : i32
      %cond3A_165 = arith.cmpi ne, %convert_element_type3A_163, %cond3A_164 : i32
      scf.if %cond3A_165 {
        %add3A_242 = arith.constant 2 : i32
        %add3A_243 = arith.addi %add3A_151, %add3A_242 : i32
        %mul3A_244 = arith.constant 2 : i32
        %mul3A_245 = arith.muli %add3A_243, %mul3A_244 : i32
        %add3A_246 = arith.addi %mul3A_2, %mul3A_245 : i32
        %dma_start3A_247 = arith.constant 0 : i32
        %dma_start3A_248 = arith.constant 0 : i32
        %dma_start3A_249 = tpu.memref_slice %arg2[%add3A_246, %dma_start3A_247, %dma_start3A_248] : memref<2048x4x2048xf32, #tpu.memory_space<hbm>> -> memref<2x4x2048xf32, #tpu.memory_space<hbm>>
        %dma_start3A_250 = arith.constant 0 : i32
        %dma_start3A_251 = arith.constant 0 : i32
        %dma_start3A_252 = tpu.memref_slice %arg2[%add3A_246, %dma_start3A_250, %dma_start3A_251] : memref<2048x4x2048xf32, #tpu.memory_space<hbm>> -> memref<2x4x2048xf32, #tpu.memory_space<hbm>>
        tpu.enqueue_dma source(%dma_start3A_252 : memref<2x4x2048xf32, #tpu.memory_space<hbm>>) target(%arg5 : memref<2x4x2048xf32, #tpu.memory_space<vmem>>) target_semaphore(%arg13 : memref<!tpu.dma_semaphore, #tpu.memory_space<semaphore_mem>>)
        %dma_start3A_253 = arith.constant 0 : i32
        %dma_start3A_254 = tpu.memref_slice %arg3[%add3A_246, %dma_start3A_253] : memref<2048x2048xf32, #tpu.memory_space<hbm>> -> memref<2x2048xf32, #tpu.memory_space<hbm>>
        %dma_start3A_255 = arith.constant 0 : i32
        %dma_start3A_256 = tpu.memref_slice %arg3[%add3A_246, %dma_start3A_255] : memref<2048x2048xf32, #tpu.memory_space<hbm>> -> memref<2x2048xf32, #tpu.memory_space<hbm>>
        tpu.enqueue_dma source(%dma_start3A_256 : memref<2x2048xf32, #tpu.memory_space<hbm>>) target(%arg9 : memref<2x2048xf32, #tpu.memory_space<vmem>>) target_semaphore(%arg13 : memref<!tpu.dma_semaphore, #tpu.memory_space<semaphore_mem>>)
      } else {
      }
      %mul3A_166 = arith.constant 2 : i32
      %mul3A_167 = arith.muli %add3A_151, %mul3A_166 : i32
      %add3A_168 = arith.addi %mul3A_2, %mul3A_167 : i32
      %dma_wait3A_169 = arith.constant 0 : i32
      %dma_wait3A_170 = arith.constant 0 : i32
      %dma_wait3A_171 = tpu.memref_slice %arg2[%add3A_168, %dma_wait3A_169, %dma_wait3A_170] : memref<2048x4x2048xf32, #tpu.memory_space<hbm>> -> memref<2x4x2048xf32, #tpu.memory_space<hbm>>
      %dma_wait3A_172 = arith.constant 0 : i32
      %dma_wait3A_173 = arith.constant 0 : i32
      %dma_wait3A_174 = tpu.memref_slice %arg2[%add3A_168, %dma_wait3A_172, %dma_wait3A_173] : memref<2048x4x2048xf32, #tpu.memory_space<hbm>> -> memref<2x4x2048xf32, #tpu.memory_space<hbm>>
      tpu.wait_dma2 semaphore(%arg15 : memref<!tpu.dma_semaphore, #tpu.memory_space<semaphore_mem>>) src(%dma_wait3A_174 : memref<2x4x2048xf32, #tpu.memory_space<hbm>>) dst(%arg7 : memref<2x4x2048xf32, #tpu.memory_space<vmem>>)
      %dma_wait3A_175 = arith.constant 0 : i32
      %dma_wait3A_176 = tpu.memref_slice %arg3[%add3A_168, %dma_wait3A_175] : memref<2048x2048xf32, #tpu.memory_space<hbm>> -> memref<2x2048xf32, #tpu.memory_space<hbm>>
      %dma_wait3A_177 = arith.constant 0 : i32
      %dma_wait3A_178 = tpu.memref_slice %arg3[%add3A_168, %dma_wait3A_177] : memref<2048x2048xf32, #tpu.memory_space<hbm>> -> memref<2x2048xf32, #tpu.memory_space<hbm>>
      tpu.wait_dma2 semaphore(%arg15 : memref<!tpu.dma_semaphore, #tpu.memory_space<semaphore_mem>>) src(%dma_wait3A_178 : memref<2x2048xf32, #tpu.memory_space<hbm>>) dst(%arg11 : memref<2x2048xf32, #tpu.memory_space<vmem>>)
      %scan3A_179 = arith.constant 0 : i32
      %scan3A_180 = arith.constant 0 : i32
      %scan3A_181 = arith.constant 128 : i32
      %scan3A_182 = arith.addi %scan3A_180, %scan3A_181 : i32
      %scan3A_183 = arith.constant 2 : i32
      scf.for %scan3A_242 = %scan3A_180 to %scan3A_182 step %scan3A_183  : i32 {
        %mul3A_243 = arith.constant 16 : i32
        %mul3A_244 = arith.muli %scan3A_242, %mul3A_243 : i32
        %get3A = arith.constant 0 : i32
        %get3A_245 = arith.index_cast %get3A : i32 to index
        %get3A_246 = arith.index_cast %mul3A_244 : i32 to index
        %get3A_247 = tpu.vector_load %arg11[%get3A_245, %get3A_246] {strides = array<i32>} : memref<2x2048xf32, #tpu.memory_space<vmem>>, vector<1x16xf32>,
        %get3A_248 = vector.shape_cast %get3A_247 : vector<1x16xf32> to vector<16xf32>
        %swap3A = arith.constant 0 : i32
        %swap3A_249 = arith.constant 0 : i32
        %swap3A_250 = arith.index_cast %swap3A : i32 to index
        %swap3A_251 = arith.index_cast %swap3A_249 : i32 to index
        %swap3A_252 = arith.index_cast %mul3A_244 : i32 to index
        %swap3A_253 = tpu.vector_load %arg7[%swap3A_250, %swap3A_251, %swap3A_252] {strides = array<i32>} : memref<2x4x2048xf32, #tpu.memory_space<vmem>>, vector<1x1x16xf32>,
        %swap3A_254 = vector.shape_cast %swap3A_253 : vector<1x1x16xf32> to vector<16xf32>
        %swap3A_255 = vector.shape_cast %get3A_248 : vector<16xf32> to vector<1x1x16xf32>
        tpu.vector_store %arg7[%swap3A_250, %swap3A_251, %swap3A_252], %swap3A_255 {add = true, strides = array<i32>} : memref<2x4x2048xf32, #tpu.memory_space<vmem>>, vector<1x1x16xf32>,
        %swap3A_256 = arith.constant 0 : i32
        %swap3A_257 = arith.constant 1 : i32
        %swap3A_258 = arith.index_cast %swap3A_256 : i32 to index
        %swap3A_259 = arith.index_cast %swap3A_257 : i32 to index
        %swap3A_260 = arith.index_cast %mul3A_244 : i32 to index
        %swap3A_261 = tpu.vector_load %arg7[%swap3A_258, %swap3A_259, %swap3A_260] {strides = array<i32>} : memref<2x4x2048xf32, #tpu.memory_space<vmem>>, vector<1x1x16xf32>,
        %swap3A_262 = vector.shape_cast %swap3A_261 : vector<1x1x16xf32> to vector<16xf32>
        %swap3A_263 = vector.shape_cast %get3A_248 : vector<16xf32> to vector<1x1x16xf32>
        tpu.vector_store %arg7[%swap3A_258, %swap3A_259, %swap3A_260], %swap3A_263 {add = true, strides = array<i32>} : memref<2x4x2048xf32, #tpu.memory_space<vmem>>, vector<1x1x16xf32>,
        %swap3A_264 = arith.constant 0 : i32
        %swap3A_265 = arith.constant 2 : i32
        %swap3A_266 = arith.index_cast %swap3A_264 : i32 to index
        %swap3A_267 = arith.index_cast %swap3A_265 : i32 to index
        %swap3A_268 = arith.index_cast %mul3A_244 : i32 to index
        %swap3A_269 = tpu.vector_load %arg7[%swap3A_266, %swap3A_267, %swap3A_268] {strides = array<i32>} : memref<2x4x2048xf32, #tpu.memory_space<vmem>>, vector<1x1x16xf32>,
        %swap3A_270 = vector.shape_cast %swap3A_269 : vector<1x1x16xf32> to vector<16xf32>
        %swap3A_271 = vector.shape_cast %get3A_248 : vector<16xf32> to vector<1x1x16xf32>
        tpu.vector_store %arg7[%swap3A_266, %swap3A_267, %swap3A_268], %swap3A_271 {add = true, strides = array<i32>} : memref<2x4x2048xf32, #tpu.memory_space<vmem>>, vector<1x1x16xf32>,
        %swap3A_272 = arith.constant 0 : i32
        %swap3A_273 = arith.constant 3 : i32
        %swap3A_274 = arith.index_cast %swap3A_272 : i32 to index
        %swap3A_275 = arith.index_cast %swap3A_273 : i32 to index
        %swap3A_276 = arith.index_cast %mul3A_244 : i32 to index
        %swap3A_277 = tpu.vector_load %arg7[%swap3A_274, %swap3A_275, %swap3A_276] {strides = array<i32>} : memref<2x4x2048xf32, #tpu.memory_space<vmem>>, vector<1x1x16xf32>,
        %swap3A_278 = vector.shape_cast %swap3A_277 : vector<1x1x16xf32> to vector<16xf32>
        %swap3A_279 = vector.shape_cast %get3A_248 : vector<16xf32> to vector<1x1x16xf32>
        tpu.vector_store %arg7[%swap3A_274, %swap3A_275, %swap3A_276], %swap3A_279 {add = true, strides = array<i32>} : memref<2x4x2048xf32, #tpu.memory_space<vmem>>, vector<1x1x16xf32>,
        %get3A_280 = arith.constant 1 : i32
        %get3A_281 = arith.index_cast %get3A_280 : i32 to index
        %get3A_282 = arith.index_cast %mul3A_244 : i32 to index
        %get3A_283 = tpu.vector_load %arg11[%get3A_281, %get3A_282] {strides = array<i32>} : memref<2x2048xf32, #tpu.memory_space<vmem>>, vector<1x16xf32>,
        %get3A_284 = vector.shape_cast %get3A_283 : vector<1x16xf32> to vector<16xf32>
        %swap3A_285 = arith.constant 1 : i32
        %swap3A_286 = arith.constant 0 : i32
        %swap3A_287 = arith.index_cast %swap3A_285 : i32 to index
        %swap3A_288 = arith.index_cast %swap3A_286 : i32 to index
        %swap3A_289 = arith.index_cast %mul3A_244 : i32 to index
        %swap3A_290 = tpu.vector_load %arg7[%swap3A_287, %swap3A_288, %swap3A_289] {strides = array<i32>} : memref<2x4x2048xf32, #tpu.memory_space<vmem>>, vector<1x1x16xf32>,
        %swap3A_291 = vector.shape_cast %swap3A_290 : vector<1x1x16xf32> to vector<16xf32>
        %swap3A_292 = vector.shape_cast %get3A_284 : vector<16xf32> to vector<1x1x16xf32>
        tpu.vector_store %arg7[%swap3A_287, %swap3A_288, %swap3A_289], %swap3A_292 {add = true, strides = array<i32>} : memref<2x4x2048xf32, #tpu.memory_space<vmem>>, vector<1x1x16xf32>,
        %swap3A_293 = arith.constant 1 : i32
        %swap3A_294 = arith.constant 1 : i32
        %swap3A_295 = arith.index_cast %swap3A_293 : i32 to index
        %swap3A_296 = arith.index_cast %swap3A_294 : i32 to index
        %swap3A_297 = arith.index_cast %mul3A_244 : i32 to index
        %swap3A_298 = tpu.vector_load %arg7[%swap3A_295, %swap3A_296, %swap3A_297] {strides = array<i32>} : memref<2x4x2048xf32, #tpu.memory_space<vmem>>, vector<1x1x16xf32>,
        %swap3A_299 = vector.shape_cast %swap3A_298 : vector<1x1x16xf32> to vector<16xf32>
        %swap3A_300 = vector.shape_cast %get3A_284 : vector<16xf32> to vector<1x1x16xf32>
        tpu.vector_store %arg7[%swap3A_295, %swap3A_296, %swap3A_297], %swap3A_300 {add = true, strides = array<i32>} : memref<2x4x2048xf32, #tpu.memory_space<vmem>>, vector<1x1x16xf32>,
        %swap3A_301 = arith.constant 1 : i32
        %swap3A_302 = arith.constant 2 : i32
        %swap3A_303 = arith.index_cast %swap3A_301 : i32 to index
        %swap3A_304 = arith.index_cast %swap3A_302 : i32 to index
        %swap3A_305 = arith.index_cast %mul3A_244 : i32 to index
        %swap3A_306 = tpu.vector_load %arg7[%swap3A_303, %swap3A_304, %swap3A_305] {strides = array<i32>} : memref<2x4x2048xf32, #tpu.memory_space<vmem>>, vector<1x1x16xf32>,
        %swap3A_307 = vector.shape_cast %swap3A_306 : vector<1x1x16xf32> to vector<16xf32>
        %swap3A_308 = vector.shape_cast %get3A_284 : vector<16xf32> to vector<1x1x16xf32>
        tpu.vector_store %arg7[%swap3A_303, %swap3A_304, %swap3A_305], %swap3A_308 {add = true, strides = array<i32>} : memref<2x4x2048xf32, #tpu.memory_space<vmem>>, vector<1x1x16xf32>,
        %swap3A_309 = arith.constant 1 : i32
        %swap3A_310 = arith.constant 3 : i32
        %swap3A_311 = arith.index_cast %swap3A_309 : i32 to index
        %swap3A_312 = arith.index_cast %swap3A_310 : i32 to index
        %swap3A_313 = arith.index_cast %mul3A_244 : i32 to index
        %swap3A_314 = tpu.vector_load %arg7[%swap3A_311, %swap3A_312, %swap3A_313] {strides = array<i32>} : memref<2x4x2048xf32, #tpu.memory_space<vmem>>, vector<1x1x16xf32>,
        %swap3A_315 = vector.shape_cast %swap3A_314 : vector<1x1x16xf32> to vector<16xf32>
        %swap3A_316 = vector.shape_cast %get3A_284 : vector<16xf32> to vector<1x1x16xf32>
        tpu.vector_store %arg7[%swap3A_311, %swap3A_312, %swap3A_313], %swap3A_316 {add = true, strides = array<i32>} : memref<2x4x2048xf32, #tpu.memory_space<vmem>>, vector<1x1x16xf32>,
        %scan3A_317 = arith.constant 1 : i32
        %scan3A_318 = arith.addi %scan3A_242, %scan3A_317 : i32
        %mul3A_319 = arith.constant 16 : i32
        %mul3A_320 = arith.muli %scan3A_318, %mul3A_319 : i32
        %get3A_321 = arith.constant 0 : i32
        %get3A_322 = arith.index_cast %get3A_321 : i32 to index
        %get3A_323 = arith.index_cast %mul3A_320 : i32 to index
        %get3A_324 = tpu.vector_load %arg11[%get3A_322, %get3A_323] {strides = array<i32>} : memref<2x2048xf32, #tpu.memory_space<vmem>>, vector<1x16xf32>,
        %get3A_325 = vector.shape_cast %get3A_324 : vector<1x16xf32> to vector<16xf32>
        %swap3A_326 = arith.constant 0 : i32
        %swap3A_327 = arith.constant 0 : i32
        %swap3A_328 = arith.index_cast %swap3A_326 : i32 to index
        %swap3A_329 = arith.index_cast %swap3A_327 : i32 to index
        %swap3A_330 = arith.index_cast %mul3A_320 : i32 to index
        %swap3A_331 = tpu.vector_load %arg7[%swap3A_328, %swap3A_329, %swap3A_330] {strides = array<i32>} : memref<2x4x2048xf32, #tpu.memory_space<vmem>>, vector<1x1x16xf32>,
        %swap3A_332 = vector.shape_cast %swap3A_331 : vector<1x1x16xf32> to vector<16xf32>
        %swap3A_333 = vector.shape_cast %get3A_325 : vector<16xf32> to vector<1x1x16xf32>
        tpu.vector_store %arg7[%swap3A_328, %swap3A_329, %swap3A_330], %swap3A_333 {add = true, strides = array<i32>} : memref<2x4x2048xf32, #tpu.memory_space<vmem>>, vector<1x1x16xf32>,
        %swap3A_334 = arith.constant 0 : i32
        %swap3A_335 = arith.constant 1 : i32
        %swap3A_336 = arith.index_cast %swap3A_334 : i32 to index
        %swap3A_337 = arith.index_cast %swap3A_335 : i32 to index
        %swap3A_338 = arith.index_cast %mul3A_320 : i32 to index
        %swap3A_339 = tpu.vector_load %arg7[%swap3A_336, %swap3A_337, %swap3A_338] {strides = array<i32>} : memref<2x4x2048xf32, #tpu.memory_space<vmem>>, vector<1x1x16xf32>,
        %swap3A_340 = vector.shape_cast %swap3A_339 : vector<1x1x16xf32> to vector<16xf32>
        %swap3A_341 = vector.shape_cast %get3A_325 : vector<16xf32> to vector<1x1x16xf32>
        tpu.vector_store %arg7[%swap3A_336, %swap3A_337, %swap3A_338], %swap3A_341 {add = true, strides = array<i32>} : memref<2x4x2048xf32, #tpu.memory_space<vmem>>, vector<1x1x16xf32>,
        %swap3A_342 = arith.constant 0 : i32
        %swap3A_343 = arith.constant 2 : i32
        %swap3A_344 = arith.index_cast %swap3A_342 : i32 to index
        %swap3A_345 = arith.index_cast %swap3A_343 : i32 to index
        %swap3A_346 = arith.index_cast %mul3A_320 : i32 to index
        %swap3A_347 = tpu.vector_load %arg7[%swap3A_344, %swap3A_345, %swap3A_346] {strides = array<i32>} : memref<2x4x2048xf32, #tpu.memory_space<vmem>>, vector<1x1x16xf32>,
        %swap3A_348 = vector.shape_cast %swap3A_347 : vector<1x1x16xf32> to vector<16xf32>
        %swap3A_349 = vector.shape_cast %get3A_325 : vector<16xf32> to vector<1x1x16xf32>
        tpu.vector_store %arg7[%swap3A_344, %swap3A_345, %swap3A_346], %swap3A_349 {add = true, strides = array<i32>} : memref<2x4x2048xf32, #tpu.memory_space<vmem>>, vector<1x1x16xf32>,
        %swap3A_350 = arith.constant 0 : i32
        %swap3A_351 = arith.constant 3 : i32
        %swap3A_352 = arith.index_cast %swap3A_350 : i32 to index
        %swap3A_353 = arith.index_cast %swap3A_351 : i32 to index
        %swap3A_354 = arith.index_cast %mul3A_320 : i32 to index
        %swap3A_355 = tpu.vector_load %arg7[%swap3A_352, %swap3A_353, %swap3A_354] {strides = array<i32>} : memref<2x4x2048xf32, #tpu.memory_space<vmem>>, vector<1x1x16xf32>,
        %swap3A_356 = vector.shape_cast %swap3A_355 : vector<1x1x16xf32> to vector<16xf32>
        %swap3A_357 = vector.shape_cast %get3A_325 : vector<16xf32> to vector<1x1x16xf32>
        tpu.vector_store %arg7[%swap3A_352, %swap3A_353, %swap3A_354], %swap3A_357 {add = true, strides = array<i32>} : memref<2x4x2048xf32, #tpu.memory_space<vmem>>, vector<1x1x16xf32>,
        %get3A_358 = arith.constant 1 : i32
        %get3A_359 = arith.index_cast %get3A_358 : i32 to index
        %get3A_360 = arith.index_cast %mul3A_320 : i32 to index
        %get3A_361 = tpu.vector_load %arg11[%get3A_359, %get3A_360] {strides = array<i32>} : memref<2x2048xf32, #tpu.memory_space<vmem>>, vector<1x16xf32>,
        %get3A_362 = vector.shape_cast %get3A_361 : vector<1x16xf32> to vector<16xf32>
        %swap3A_363 = arith.constant 1 : i32
        %swap3A_364 = arith.constant 0 : i32
        %swap3A_365 = arith.index_cast %swap3A_363 : i32 to index
        %swap3A_366 = arith.index_cast %swap3A_364 : i32 to index
        %swap3A_367 = arith.index_cast %mul3A_320 : i32 to index
        %swap3A_368 = tpu.vector_load %arg7[%swap3A_365, %swap3A_366, %swap3A_367] {strides = array<i32>} : memref<2x4x2048xf32, #tpu.memory_space<vmem>>, vector<1x1x16xf32>,
        %swap3A_369 = vector.shape_cast %swap3A_368 : vector<1x1x16xf32> to vector<16xf32>
        %swap3A_370 = vector.shape_cast %get3A_362 : vector<16xf32> to vector<1x1x16xf32>
        tpu.vector_store %arg7[%swap3A_365, %swap3A_366, %swap3A_367], %swap3A_370 {add = true, strides = array<i32>} : memref<2x4x2048xf32, #tpu.memory_space<vmem>>, vector<1x1x16xf32>,
        %swap3A_371 = arith.constant 1 : i32
        %swap3A_372 = arith.constant 1 : i32
        %swap3A_373 = arith.index_cast %swap3A_371 : i32 to index
        %swap3A_374 = arith.index_cast %swap3A_372 : i32 to index
        %swap3A_375 = arith.index_cast %mul3A_320 : i32 to index
        %swap3A_376 = tpu.vector_load %arg7[%swap3A_373, %swap3A_374, %swap3A_375] {strides = array<i32>} : memref<2x4x2048xf32, #tpu.memory_space<vmem>>, vector<1x1x16xf32>,
        %swap3A_377 = vector.shape_cast %swap3A_376 : vector<1x1x16xf32> to vector<16xf32>
        %swap3A_378 = vector.shape_cast %get3A_362 : vector<16xf32> to vector<1x1x16xf32>
        tpu.vector_store %arg7[%swap3A_373, %swap3A_374, %swap3A_375], %swap3A_378 {add = true, strides = array<i32>} : memref<2x4x2048xf32, #tpu.memory_space<vmem>>, vector<1x1x16xf32>,
        %swap3A_379 = arith.constant 1 : i32
        %swap3A_380 = arith.constant 2 : i32
        %swap3A_381 = arith.index_cast %swap3A_379 : i32 to index
        %swap3A_382 = arith.index_cast %swap3A_380 : i32 to index
        %swap3A_383 = arith.index_cast %mul3A_320 : i32 to index
        %swap3A_384 = tpu.vector_load %arg7[%swap3A_381, %swap3A_382, %swap3A_383] {strides = array<i32>} : memref<2x4x2048xf32, #tpu.memory_space<vmem>>, vector<1x1x16xf32>,
        %swap3A_385 = vector.shape_cast %swap3A_384 : vector<1x1x16xf32> to vector<16xf32>
        %swap3A_386 = vector.shape_cast %get3A_362 : vector<16xf32> to vector<1x1x16xf32>
        tpu.vector_store %arg7[%swap3A_381, %swap3A_382, %swap3A_383], %swap3A_386 {add = true, strides = array<i32>} : memref<2x4x2048xf32, #tpu.memory_space<vmem>>, vector<1x1x16xf32>,
        %swap3A_387 = arith.constant 1 : i32
        %swap3A_388 = arith.constant 3 : i32
        %swap3A_389 = arith.index_cast %swap3A_387 : i32 to index
        %swap3A_390 = arith.index_cast %swap3A_388 : i32 to index
        %swap3A_391 = arith.index_cast %mul3A_320 : i32 to index
        %swap3A_392 = tpu.vector_load %arg7[%swap3A_389, %swap3A_390, %swap3A_391] {strides = array<i32>} : memref<2x4x2048xf32, #tpu.memory_space<vmem>>, vector<1x1x16xf32>,
        %swap3A_393 = vector.shape_cast %swap3A_392 : vector<1x1x16xf32> to vector<16xf32>
        %swap3A_394 = vector.shape_cast %get3A_362 : vector<16xf32> to vector<1x1x16xf32>
        tpu.vector_store %arg7[%swap3A_389, %swap3A_390, %swap3A_391], %swap3A_394 {add = true, strides = array<i32>} : memref<2x4x2048xf32, #tpu.memory_space<vmem>>, vector<1x1x16xf32>,
      }
      %scan3A_184 = arith.constant 128 : i32
      %mul3A_185 = arith.constant 2 : i32
      %mul3A_186 = arith.muli %add3A_151, %mul3A_185 : i32
      %add3A_187 = arith.addi %mul3A_2, %mul3A_186 : i32
      %dma_start3A_188 = arith.constant 0 : i32
      %dma_start3A_189 = arith.constant 0 : i32
      %dma_start3A_190 = tpu.memref_slice %arg4[%add3A_187, %dma_start3A_188, %dma_start3A_189] : memref<2048x4x2048xf32, #tpu.memory_space<hbm>> -> memref<2x4x2048xf32, #tpu.memory_space<hbm>>
      %dma_start3A_191 = arith.constant 0 : i32
      %dma_start3A_192 = arith.constant 0 : i32
      %dma_start3A_193 = tpu.memref_slice %arg4[%add3A_187, %dma_start3A_191, %dma_start3A_192] : memref<2048x4x2048xf32, #tpu.memory_space<hbm>> -> memref<2x4x2048xf32, #tpu.memory_space<hbm>>
      tpu.enqueue_dma source(%arg7 : memref<2x4x2048xf32, #tpu.memory_space<vmem>>) target(%dma_start3A_193 : memref<2x4x2048xf32, #tpu.memory_space<hbm>>) target_semaphore(%arg19 : memref<!tpu.dma_semaphore, #tpu.memory_space<semaphore_mem>>)
      %mul3A_194 = arith.constant 4 : i32
      %mul3A_195 = arith.muli %scan3A_46, %mul3A_194 : i32
      %add3A_196 = arith.constant 3 : i32
      %add3A_197 = arith.addi %mul3A_195, %add3A_196 : i32
      %sub3A_198 = arith.constant 2 : i32
      %sub3A_199 = arith.subi %add3A_197, %sub3A_198 : i32
      %mul3A_200 = arith.constant 2 : i32
      %mul3A_201 = arith.muli %sub3A_199, %mul3A_200 : i32
      %add3A_202 = arith.addi %mul3A_2, %mul3A_201 : i32
      %dma_wait3A_203 = arith.constant 0 : i32
      %dma_wait3A_204 = arith.constant 0 : i32
      %dma_wait3A_205 = tpu.memref_slice %arg4[%add3A_202, %dma_wait3A_203, %dma_wait3A_204] : memref<2048x4x2048xf32, #tpu.memory_space<hbm>> -> memref<2x4x2048xf32, #tpu.memory_space<hbm>>
      %dma_wait3A_206 = arith.constant 0 : i32
      %dma_wait3A_207 = arith.constant 0 : i32
      %dma_wait3A_208 = tpu.memref_slice %arg4[%add3A_202, %dma_wait3A_206, %dma_wait3A_207] : memref<2048x4x2048xf32, #tpu.memory_space<hbm>> -> memref<2x4x2048xf32, #tpu.memory_space<hbm>>
      tpu.wait_dma2 semaphore(%arg18 : memref<!tpu.dma_semaphore, #tpu.memory_space<semaphore_mem>>) src(%arg6 : memref<2x4x2048xf32, #tpu.memory_space<vmem>>) dst(%dma_wait3A_208 : memref<2x4x2048xf32, #tpu.memory_space<hbm>>)
      %lt3A_209 = arith.constant 7 : i32
      %lt3A_210 = arith.cmpi slt, %scan3A_46, %lt3A_209 : i32
      %convert_element_type3A_211 = arith.extui %lt3A_210 : i1 to i32
      %cond3A_212 = arith.constant 0 : i32
      %cond3A_213 = arith.cmpi ne, %convert_element_type3A_211, %cond3A_212 : i32
      scf.if %cond3A_213 {
        %add3A_242 = arith.constant 2 : i32
        %add3A_243 = arith.addi %add3A_197, %add3A_242 : i32
        %mul3A_244 = arith.constant 2 : i32
        %mul3A_245 = arith.muli %add3A_243, %mul3A_244 : i32
        %add3A_246 = arith.addi %mul3A_2, %mul3A_245 : i32
        %dma_start3A_247 = arith.constant 0 : i32
        %dma_start3A_248 = arith.constant 0 : i32
        %dma_start3A_249 = tpu.memref_slice %arg2[%add3A_246, %dma_start3A_247, %dma_start3A_248] : memref<2048x4x2048xf32, #tpu.memory_space<hbm>> -> memref<2x4x2048xf32, #tpu.memory_space<hbm>>
        %dma_start3A_250 = arith.constant 0 : i32
        %dma_start3A_251 = arith.constant 0 : i32
        %dma_start3A_252 = tpu.memref_slice %arg2[%add3A_246, %dma_start3A_250, %dma_start3A_251] : memref<2048x4x2048xf32, #tpu.memory_space<hbm>> -> memref<2x4x2048xf32, #tpu.memory_space<hbm>>
        tpu.enqueue_dma source(%dma_start3A_252 : memref<2x4x2048xf32, #tpu.memory_space<hbm>>) target(%arg6 : memref<2x4x2048xf32, #tpu.memory_space<vmem>>) target_semaphore(%arg14 : memref<!tpu.dma_semaphore, #tpu.memory_space<semaphore_mem>>)
        %dma_start3A_253 = arith.constant 0 : i32
        %dma_start3A_254 = tpu.memref_slice %arg3[%add3A_246, %dma_start3A_253] : memref<2048x2048xf32, #tpu.memory_space<hbm>> -> memref<2x2048xf32, #tpu.memory_space<hbm>>
        %dma_start3A_255 = arith.constant 0 : i32
        %dma_start3A_256 = tpu.memref_slice %arg3[%add3A_246, %dma_start3A_255] : memref<2048x2048xf32, #tpu.memory_space<hbm>> -> memref<2x2048xf32, #tpu.memory_space<hbm>>
        tpu.enqueue_dma source(%dma_start3A_256 : memref<2x2048xf32, #tpu.memory_space<hbm>>) target(%arg10 : memref<2x2048xf32, #tpu.memory_space<vmem>>) target_semaphore(%arg14 : memref<!tpu.dma_semaphore, #tpu.memory_space<semaphore_mem>>)
      } else {
      }
      %mul3A_214 = arith.constant 2 : i32
      %mul3A_215 = arith.muli %add3A_197, %mul3A_214 : i32
      %add3A_216 = arith.addi %mul3A_2, %mul3A_215 : i32
      %dma_wait3A_217 = arith.constant 0 : i32
      %dma_wait3A_218 = arith.constant 0 : i32
      %dma_wait3A_219 = tpu.memref_slice %arg2[%add3A_216, %dma_wait3A_217, %dma_wait3A_218] : memref<2048x4x2048xf32, #tpu.memory_space<hbm>> -> memref<2x4x2048xf32, #tpu.memory_space<hbm>>
      %dma_wait3A_220 = arith.constant 0 : i32
      %dma_wait3A_221 = arith.constant 0 : i32
      %dma_wait3A_222 = tpu.memref_slice %arg2[%add3A_216, %dma_wait3A_220, %dma_wait3A_221] : memref<2048x4x2048xf32, #tpu.memory_space<hbm>> -> memref<2x4x2048xf32, #tpu.memory_space<hbm>>
      tpu.wait_dma2 semaphore(%arg16 : memref<!tpu.dma_semaphore, #tpu.memory_space<semaphore_mem>>) src(%dma_wait3A_222 : memref<2x4x2048xf32, #tpu.memory_space<hbm>>) dst(%arg8 : memref<2x4x2048xf32, #tpu.memory_space<vmem>>)
      %dma_wait3A_223 = arith.constant 0 : i32
      %dma_wait3A_224 = tpu.memref_slice %arg3[%add3A_216, %dma_wait3A_223] : memref<2048x2048xf32, #tpu.memory_space<hbm>> -> memref<2x2048xf32, #tpu.memory_space<hbm>>
      %dma_wait3A_225 = arith.constant 0 : i32
      %dma_wait3A_226 = tpu.memref_slice %arg3[%add3A_216, %dma_wait3A_225] : memref<2048x2048xf32, #tpu.memory_space<hbm>> -> memref<2x2048xf32, #tpu.memory_space<hbm>>
      tpu.wait_dma2 semaphore(%arg16 : memref<!tpu.dma_semaphore, #tpu.memory_space<semaphore_mem>>) src(%dma_wait3A_226 : memref<2x2048xf32, #tpu.memory_space<hbm>>) dst(%arg12 : memref<2x2048xf32, #tpu.memory_space<vmem>>)
      %scan3A_227 = arith.constant 0 : i32
      %scan3A_228 = arith.constant 0 : i32
      %scan3A_229 = arith.constant 128 : i32
      %scan3A_230 = arith.addi %scan3A_228, %scan3A_229 : i32
      %scan3A_231 = arith.constant 2 : i32
      scf.for %scan3A_242 = %scan3A_228 to %scan3A_230 step %scan3A_231  : i32 {
        %mul3A_243 = arith.constant 16 : i32
        %mul3A_244 = arith.muli %scan3A_242, %mul3A_243 : i32
        %get3A = arith.constant 0 : i32
        %get3A_245 = arith.index_cast %get3A : i32 to index
        %get3A_246 = arith.index_cast %mul3A_244 : i32 to index
        %get3A_247 = tpu.vector_load %arg12[%get3A_245, %get3A_246] {strides = array<i32>} : memref<2x2048xf32, #tpu.memory_space<vmem>>, vector<1x16xf32>,
        %get3A_248 = vector.shape_cast %get3A_247 : vector<1x16xf32> to vector<16xf32>
        %swap3A = arith.constant 0 : i32
        %swap3A_249 = arith.constant 0 : i32
        %swap3A_250 = arith.index_cast %swap3A : i32 to index
        %swap3A_251 = arith.index_cast %swap3A_249 : i32 to index
        %swap3A_252 = arith.index_cast %mul3A_244 : i32 to index
        %swap3A_253 = tpu.vector_load %arg8[%swap3A_250, %swap3A_251, %swap3A_252] {strides = array<i32>} : memref<2x4x2048xf32, #tpu.memory_space<vmem>>, vector<1x1x16xf32>,
        %swap3A_254 = vector.shape_cast %swap3A_253 : vector<1x1x16xf32> to vector<16xf32>
        %swap3A_255 = vector.shape_cast %get3A_248 : vector<16xf32> to vector<1x1x16xf32>
        tpu.vector_store %arg8[%swap3A_250, %swap3A_251, %swap3A_252], %swap3A_255 {add = true, strides = array<i32>} : memref<2x4x2048xf32, #tpu.memory_space<vmem>>, vector<1x1x16xf32>,
        %swap3A_256 = arith.constant 0 : i32
        %swap3A_257 = arith.constant 1 : i32
        %swap3A_258 = arith.index_cast %swap3A_256 : i32 to index
        %swap3A_259 = arith.index_cast %swap3A_257 : i32 to index
        %swap3A_260 = arith.index_cast %mul3A_244 : i32 to index
        %swap3A_261 = tpu.vector_load %arg8[%swap3A_258, %swap3A_259, %swap3A_260] {strides = array<i32>} : memref<2x4x2048xf32, #tpu.memory_space<vmem>>, vector<1x1x16xf32>,
        %swap3A_262 = vector.shape_cast %swap3A_261 : vector<1x1x16xf32> to vector<16xf32>
        %swap3A_263 = vector.shape_cast %get3A_248 : vector<16xf32> to vector<1x1x16xf32>
        tpu.vector_store %arg8[%swap3A_258, %swap3A_259, %swap3A_260], %swap3A_263 {add = true, strides = array<i32>} : memref<2x4x2048xf32, #tpu.memory_space<vmem>>, vector<1x1x16xf32>,
        %swap3A_264 = arith.constant 0 : i32
        %swap3A_265 = arith.constant 2 : i32
        %swap3A_266 = arith.index_cast %swap3A_264 : i32 to index
        %swap3A_267 = arith.index_cast %swap3A_265 : i32 to index
        %swap3A_268 = arith.index_cast %mul3A_244 : i32 to index
        %swap3A_269 = tpu.vector_load %arg8[%swap3A_266, %swap3A_267, %swap3A_268] {strides = array<i32>} : memref<2x4x2048xf32, #tpu.memory_space<vmem>>, vector<1x1x16xf32>,
        %swap3A_270 = vector.shape_cast %swap3A_269 : vector<1x1x16xf32> to vector<16xf32>
        %swap3A_271 = vector.shape_cast %get3A_248 : vector<16xf32> to vector<1x1x16xf32>
        tpu.vector_store %arg8[%swap3A_266, %swap3A_267, %swap3A_268], %swap3A_271 {add = true, strides = array<i32>} : memref<2x4x2048xf32, #tpu.memory_space<vmem>>, vector<1x1x16xf32>,
        %swap3A_272 = arith.constant 0 : i32
        %swap3A_273 = arith.constant 3 : i32
        %swap3A_274 = arith.index_cast %swap3A_272 : i32 to index
        %swap3A_275 = arith.index_cast %swap3A_273 : i32 to index
        %swap3A_276 = arith.index_cast %mul3A_244 : i32 to index
        %swap3A_277 = tpu.vector_load %arg8[%swap3A_274, %swap3A_275, %swap3A_276] {strides = array<i32>} : memref<2x4x2048xf32, #tpu.memory_space<vmem>>, vector<1x1x16xf32>,
        %swap3A_278 = vector.shape_cast %swap3A_277 : vector<1x1x16xf32> to vector<16xf32>
        %swap3A_279 = vector.shape_cast %get3A_248 : vector<16xf32> to vector<1x1x16xf32>
        tpu.vector_store %arg8[%swap3A_274, %swap3A_275, %swap3A_276], %swap3A_279 {add = true, strides = array<i32>} : memref<2x4x2048xf32, #tpu.memory_space<vmem>>, vector<1x1x16xf32>,
        %get3A_280 = arith.constant 1 : i32
        %get3A_281 = arith.index_cast %get3A_280 : i32 to index
        %get3A_282 = arith.index_cast %mul3A_244 : i32 to index
        %get3A_283 = tpu.vector_load %arg12[%get3A_281, %get3A_282] {strides = array<i32>} : memref<2x2048xf32, #tpu.memory_space<vmem>>, vector<1x16xf32>,
        %get3A_284 = vector.shape_cast %get3A_283 : vector<1x16xf32> to vector<16xf32>
        %swap3A_285 = arith.constant 1 : i32
        %swap3A_286 = arith.constant 0 : i32
        %swap3A_287 = arith.index_cast %swap3A_285 : i32 to index
        %swap3A_288 = arith.index_cast %swap3A_286 : i32 to index
        %swap3A_289 = arith.index_cast %mul3A_244 : i32 to index
        %swap3A_290 = tpu.vector_load %arg8[%swap3A_287, %swap3A_288, %swap3A_289] {strides = array<i32>} : memref<2x4x2048xf32, #tpu.memory_space<vmem>>, vector<1x1x16xf32>,
        %swap3A_291 = vector.shape_cast %swap3A_290 : vector<1x1x16xf32> to vector<16xf32>
        %swap3A_292 = vector.shape_cast %get3A_284 : vector<16xf32> to vector<1x1x16xf32>
        tpu.vector_store %arg8[%swap3A_287, %swap3A_288, %swap3A_289], %swap3A_292 {add = true, strides = array<i32>} : memref<2x4x2048xf32, #tpu.memory_space<vmem>>, vector<1x1x16xf32>,
        %swap3A_293 = arith.constant 1 : i32
        %swap3A_294 = arith.constant 1 : i32
        %swap3A_295 = arith.index_cast %swap3A_293 : i32 to index
        %swap3A_296 = arith.index_cast %swap3A_294 : i32 to index
        %swap3A_297 = arith.index_cast %mul3A_244 : i32 to index
        %swap3A_298 = tpu.vector_load %arg8[%swap3A_295, %swap3A_296, %swap3A_297] {strides = array<i32>} : memref<2x4x2048xf32, #tpu.memory_space<vmem>>, vector<1x1x16xf32>,
        %swap3A_299 = vector.shape_cast %swap3A_298 : vector<1x1x16xf32> to vector<16xf32>
        %swap3A_300 = vector.shape_cast %get3A_284 : vector<16xf32> to vector<1x1x16xf32>
        tpu.vector_store %arg8[%swap3A_295, %swap3A_296, %swap3A_297], %swap3A_300 {add = true, strides = array<i32>} : memref<2x4x2048xf32, #tpu.memory_space<vmem>>, vector<1x1x16xf32>,
        %swap3A_301 = arith.constant 1 : i32
        %swap3A_302 = arith.constant 2 : i32
        %swap3A_303 = arith.index_cast %swap3A_301 : i32 to index
        %swap3A_304 = arith.index_cast %swap3A_302 : i32 to index
        %swap3A_305 = arith.index_cast %mul3A_244 : i32 to index
        %swap3A_306 = tpu.vector_load %arg8[%swap3A_303, %swap3A_304, %swap3A_305] {strides = array<i32>} : memref<2x4x2048xf32, #tpu.memory_space<vmem>>, vector<1x1x16xf32>,
        %swap3A_307 = vector.shape_cast %swap3A_306 : vector<1x1x16xf32> to vector<16xf32>
        %swap3A_308 = vector.shape_cast %get3A_284 : vector<16xf32> to vector<1x1x16xf32>
        tpu.vector_store %arg8[%swap3A_303, %swap3A_304, %swap3A_305], %swap3A_308 {add = true, strides = array<i32>} : memref<2x4x2048xf32, #tpu.memory_space<vmem>>, vector<1x1x16xf32>,
        %swap3A_309 = arith.constant 1 : i32
        %swap3A_310 = arith.constant 3 : i32
        %swap3A_311 = arith.index_cast %swap3A_309 : i32 to index
        %swap3A_312 = arith.index_cast %swap3A_310 : i32 to index
        %swap3A_313 = arith.index_cast %mul3A_244 : i32 to index
        %swap3A_314 = tpu.vector_load %arg8[%swap3A_311, %swap3A_312, %swap3A_313] {strides = array<i32>} : memref<2x4x2048xf32, #tpu.memory_space<vmem>>, vector<1x1x16xf32>,
        %swap3A_315 = vector.shape_cast %swap3A_314 : vector<1x1x16xf32> to vector<16xf32>
        %swap3A_316 = vector.shape_cast %get3A_284 : vector<16xf32> to vector<1x1x16xf32>
        tpu.vector_store %arg8[%swap3A_311, %swap3A_312, %swap3A_313], %swap3A_316 {add = true, strides = array<i32>} : memref<2x4x2048xf32, #tpu.memory_space<vmem>>, vector<1x1x16xf32>,
        %scan3A_317 = arith.constant 1 : i32
        %scan3A_318 = arith.addi %scan3A_242, %scan3A_317 : i32
        %mul3A_319 = arith.constant 16 : i32
        %mul3A_320 = arith.muli %scan3A_318, %mul3A_319 : i32
        %get3A_321 = arith.constant 0 : i32
        %get3A_322 = arith.index_cast %get3A_321 : i32 to index
        %get3A_323 = arith.index_cast %mul3A_320 : i32 to index
        %get3A_324 = tpu.vector_load %arg12[%get3A_322, %get3A_323] {strides = array<i32>} : memref<2x2048xf32, #tpu.memory_space<vmem>>, vector<1x16xf32>,
        %get3A_325 = vector.shape_cast %get3A_324 : vector<1x16xf32> to vector<16xf32>
        %swap3A_326 = arith.constant 0 : i32
        %swap3A_327 = arith.constant 0 : i32
        %swap3A_328 = arith.index_cast %swap3A_326 : i32 to index
        %swap3A_329 = arith.index_cast %swap3A_327 : i32 to index
        %swap3A_330 = arith.index_cast %mul3A_320 : i32 to index
        %swap3A_331 = tpu.vector_load %arg8[%swap3A_328, %swap3A_329, %swap3A_330] {strides = array<i32>} : memref<2x4x2048xf32, #tpu.memory_space<vmem>>, vector<1x1x16xf32>,
        %swap3A_332 = vector.shape_cast %swap3A_331 : vector<1x1x16xf32> to vector<16xf32>
        %swap3A_333 = vector.shape_cast %get3A_325 : vector<16xf32> to vector<1x1x16xf32>
        tpu.vector_store %arg8[%swap3A_328, %swap3A_329, %swap3A_330], %swap3A_333 {add = true, strides = array<i32>} : memref<2x4x2048xf32, #tpu.memory_space<vmem>>, vector<1x1x16xf32>,
        %swap3A_334 = arith.constant 0 : i32
        %swap3A_335 = arith.constant 1 : i32
        %swap3A_336 = arith.index_cast %swap3A_334 : i32 to index
        %swap3A_337 = arith.index_cast %swap3A_335 : i32 to index
        %swap3A_338 = arith.index_cast %mul3A_320 : i32 to index
        %swap3A_339 = tpu.vector_load %arg8[%swap3A_336, %swap3A_337, %swap3A_338] {strides = array<i32>} : memref<2x4x2048xf32, #tpu.memory_space<vmem>>, vector<1x1x16xf32>,
        %swap3A_340 = vector.shape_cast %swap3A_339 : vector<1x1x16xf32> to vector<16xf32>
        %swap3A_341 = vector.shape_cast %get3A_325 : vector<16xf32> to vector<1x1x16xf32>
        tpu.vector_store %arg8[%swap3A_336, %swap3A_337, %swap3A_338], %swap3A_341 {add = true, strides = array<i32>} : memref<2x4x2048xf32, #tpu.memory_space<vmem>>, vector<1x1x16xf32>,
        %swap3A_342 = arith.constant 0 : i32
        %swap3A_343 = arith.constant 2 : i32
        %swap3A_344 = arith.index_cast %swap3A_342 : i32 to index
        %swap3A_345 = arith.index_cast %swap3A_343 : i32 to index
        %swap3A_346 = arith.index_cast %mul3A_320 : i32 to index
        %swap3A_347 = tpu.vector_load %arg8[%swap3A_344, %swap3A_345, %swap3A_346] {strides = array<i32>} : memref<2x4x2048xf32, #tpu.memory_space<vmem>>, vector<1x1x16xf32>,
        %swap3A_348 = vector.shape_cast %swap3A_347 : vector<1x1x16xf32> to vector<16xf32>
        %swap3A_349 = vector.shape_cast %get3A_325 : vector<16xf32> to vector<1x1x16xf32>
        tpu.vector_store %arg8[%swap3A_344, %swap3A_345, %swap3A_346], %swap3A_349 {add = true, strides = array<i32>} : memref<2x4x2048xf32, #tpu.memory_space<vmem>>, vector<1x1x16xf32>,
        %swap3A_350 = arith.constant 0 : i32
        %swap3A_351 = arith.constant 3 : i32
        %swap3A_352 = arith.index_cast %swap3A_350 : i32 to index
        %swap3A_353 = arith.index_cast %swap3A_351 : i32 to index
        %swap3A_354 = arith.index_cast %mul3A_320 : i32 to index
        %swap3A_355 = tpu.vector_load %arg8[%swap3A_352, %swap3A_353, %swap3A_354] {strides = array<i32>} : memref<2x4x2048xf32, #tpu.memory_space<vmem>>, vector<1x1x16xf32>,
        %swap3A_356 = vector.shape_cast %swap3A_355 : vector<1x1x16xf32> to vector<16xf32>
        %swap3A_357 = vector.shape_cast %get3A_325 : vector<16xf32> to vector<1x1x16xf32>
        tpu.vector_store %arg8[%swap3A_352, %swap3A_353, %swap3A_354], %swap3A_357 {add = true, strides = array<i32>} : memref<2x4x2048xf32, #tpu.memory_space<vmem>>, vector<1x1x16xf32>,
        %get3A_358 = arith.constant 1 : i32
        %get3A_359 = arith.index_cast %get3A_358 : i32 to index
        %get3A_360 = arith.index_cast %mul3A_320 : i32 to index
        %get3A_361 = tpu.vector_load %arg12[%get3A_359, %get3A_360] {strides = array<i32>} : memref<2x2048xf32, #tpu.memory_space<vmem>>, vector<1x16xf32>,
        %get3A_362 = vector.shape_cast %get3A_361 : vector<1x16xf32> to vector<16xf32>
        %swap3A_363 = arith.constant 1 : i32
        %swap3A_364 = arith.constant 0 : i32
        %swap3A_365 = arith.index_cast %swap3A_363 : i32 to index
        %swap3A_366 = arith.index_cast %swap3A_364 : i32 to index
        %swap3A_367 = arith.index_cast %mul3A_320 : i32 to index
        %swap3A_368 = tpu.vector_load %arg8[%swap3A_365, %swap3A_366, %swap3A_367] {strides = array<i32>} : memref<2x4x2048xf32, #tpu.memory_space<vmem>>, vector<1x1x16xf32>,
        %swap3A_369 = vector.shape_cast %swap3A_368 : vector<1x1x16xf32> to vector<16xf32>
        %swap3A_370 = vector.shape_cast %get3A_362 : vector<16xf32> to vector<1x1x16xf32>
        tpu.vector_store %arg8[%swap3A_365, %swap3A_366, %swap3A_367], %swap3A_370 {add = true, strides = array<i32>} : memref<2x4x2048xf32, #tpu.memory_space<vmem>>, vector<1x1x16xf32>,
        %swap3A_371 = arith.constant 1 : i32
        %swap3A_372 = arith.constant 1 : i32
        %swap3A_373 = arith.index_cast %swap3A_371 : i32 to index
        %swap3A_374 = arith.index_cast %swap3A_372 : i32 to index
        %swap3A_375 = arith.index_cast %mul3A_320 : i32 to index
        %swap3A_376 = tpu.vector_load %arg8[%swap3A_373, %swap3A_374, %swap3A_375] {strides = array<i32>} : memref<2x4x2048xf32, #tpu.memory_space<vmem>>, vector<1x1x16xf32>,
        %swap3A_377 = vector.shape_cast %swap3A_376 : vector<1x1x16xf32> to vector<16xf32>
        %swap3A_378 = vector.shape_cast %get3A_362 : vector<16xf32> to vector<1x1x16xf32>
        tpu.vector_store %arg8[%swap3A_373, %swap3A_374, %swap3A_375], %swap3A_378 {add = true, strides = array<i32>} : memref<2x4x2048xf32, #tpu.memory_space<vmem>>, vector<1x1x16xf32>,
        %swap3A_379 = arith.constant 1 : i32
        %swap3A_380 = arith.constant 2 : i32
        %swap3A_381 = arith.index_cast %swap3A_379 : i32 to index
        %swap3A_382 = arith.index_cast %swap3A_380 : i32 to index
        %swap3A_383 = arith.index_cast %mul3A_320 : i32 to index
        %swap3A_384 = tpu.vector_load %arg8[%swap3A_381, %swap3A_382, %swap3A_383] {strides = array<i32>} : memref<2x4x2048xf32, #tpu.memory_space<vmem>>, vector<1x1x16xf32>,
        %swap3A_385 = vector.shape_cast %swap3A_384 : vector<1x1x16xf32> to vector<16xf32>
        %swap3A_386 = vector.shape_cast %get3A_362 : vector<16xf32> to vector<1x1x16xf32>
        tpu.vector_store %arg8[%swap3A_381, %swap3A_382, %swap3A_383], %swap3A_386 {add = true, strides = array<i32>} : memref<2x4x2048xf32, #tpu.memory_space<vmem>>, vector<1x1x16xf32>,
        %swap3A_387 = arith.constant 1 : i32
        %swap3A_388 = arith.constant 3 : i32
        %swap3A_389 = arith.index_cast %swap3A_387 : i32 to index
        %swap3A_390 = arith.index_cast %swap3A_388 : i32 to index
        %swap3A_391 = arith.index_cast %mul3A_320 : i32 to index
        %swap3A_392 = tpu.vector_load %arg8[%swap3A_389, %swap3A_390, %swap3A_391] {strides = array<i32>} : memref<2x4x2048xf32, #tpu.memory_space<vmem>>, vector<1x1x16xf32>,
        %swap3A_393 = vector.shape_cast %swap3A_392 : vector<1x1x16xf32> to vector<16xf32>
        %swap3A_394 = vector.shape_cast %get3A_362 : vector<16xf32> to vector<1x1x16xf32>
        tpu.vector_store %arg8[%swap3A_389, %swap3A_390, %swap3A_391], %swap3A_394 {add = true, strides = array<i32>} : memref<2x4x2048xf32, #tpu.memory_space<vmem>>, vector<1x1x16xf32>,
      }
      %scan3A_232 = arith.constant 128 : i32
      %mul3A_233 = arith.constant 2 : i32
      %mul3A_234 = arith.muli %add3A_197, %mul3A_233 : i32
      %add3A_235 = arith.addi %mul3A_2, %mul3A_234 : i32
      %dma_start3A_236 = arith.constant 0 : i32
      %dma_start3A_237 = arith.constant 0 : i32
      %dma_start3A_238 = tpu.memref_slice %arg4[%add3A_235, %dma_start3A_236, %dma_start3A_237] : memref<2048x4x2048xf32, #tpu.memory_space<hbm>> -> memref<2x4x2048xf32, #tpu.memory_space<hbm>>
      %dma_start3A_239 = arith.constant 0 : i32
      %dma_start3A_240 = arith.constant 0 : i32
      %dma_start3A_241 = tpu.memref_slice %arg4[%add3A_235, %dma_start3A_239, %dma_start3A_240] : memref<2048x4x2048xf32, #tpu.memory_space<hbm>> -> memref<2x4x2048xf32, #tpu.memory_space<hbm>>
      tpu.enqueue_dma source(%arg8 : memref<2x4x2048xf32, #tpu.memory_space<vmem>>) target(%dma_start3A_241 : memref<2x4x2048xf32, #tpu.memory_space<hbm>>) target_semaphore(%arg20 : memref<!tpu.dma_semaphore, #tpu.memory_space<semaphore_mem>>)
    }
    %scan3A_30 = arith.constant 8 : i32
    %add3A_31 = arith.constant 60 : i32
    %add3A_32 = arith.addi %mul3A_2, %add3A_31 : i32
    %dma_wait3A = arith.constant 0 : i32
    %dma_wait3A_33 = arith.constant 0 : i32
    %dma_wait3A_34 = tpu.memref_slice %arg4[%add3A_32, %dma_wait3A, %dma_wait3A_33] : memref<2048x4x2048xf32, #tpu.memory_space<hbm>> -> memref<2x4x2048xf32, #tpu.memory_space<hbm>>
    %dma_wait3A_35 = arith.constant 0 : i32
    %dma_wait3A_36 = arith.constant 0 : i32
    %dma_wait3A_37 = tpu.memref_slice %arg4[%add3A_32, %dma_wait3A_35, %dma_wait3A_36] : memref<2048x4x2048xf32, #tpu.memory_space<hbm>> -> memref<2x4x2048xf32, #tpu.memory_space<hbm>>
    tpu.wait_dma2 semaphore(%arg19 : memref<!tpu.dma_semaphore, #tpu.memory_space<semaphore_mem>>) src(%arg7 : memref<2x4x2048xf32, #tpu.memory_space<vmem>>) dst(%dma_wait3A_37 : memref<2x4x2048xf32, #tpu.memory_space<hbm>>)
    %add3A_38 = arith.constant 62 : i32
    %add3A_39 = arith.addi %mul3A_2, %add3A_38 : i32
    %dma_wait3A_40 = arith.constant 0 : i32
    %dma_wait3A_41 = arith.constant 0 : i32
    %dma_wait3A_42 = tpu.memref_slice %arg4[%add3A_39, %dma_wait3A_40, %dma_wait3A_41] : memref<2048x4x2048xf32, #tpu.memory_space<hbm>> -> memref<2x4x2048xf32, #tpu.memory_space<hbm>>
    %dma_wait3A_43 = arith.constant 0 : i32
    %dma_wait3A_44 = arith.constant 0 : i32
    %dma_wait3A_45 = tpu.memref_slice %arg4[%add3A_39, %dma_wait3A_43, %dma_wait3A_44] : memref<2048x4x2048xf32, #tpu.memory_space<hbm>> -> memref<2x4x2048xf32, #tpu.memory_space<hbm>>
    tpu.wait_dma2 semaphore(%arg20 : memref<!tpu.dma_semaphore, #tpu.memory_space<semaphore_mem>>) src(%arg8 : memref<2x4x2048xf32, #tpu.memory_space<vmem>>) dst(%dma_wait3A_45 : memref<2x4x2048xf32, #tpu.memory_space<hbm>>)
    return
  }
}

</mosaic_0001>

<sc_bundles>
// kernel: kernel.3.cloned.1.call-start
scs
__scs_entry_jumppad:
0x0: {  	(pc) =	sbr.rel $0x88, $3  }
0x1: {  	(tag) =	ssettag $0x0;
	lr =	simm.s32 $0x1  }
0x2: {  	[smem:$0x3F9F] =	sst lr;
	_ =	strace $0xD0000000  }
0x3: {  	_ = 	snop  }
0x4: {  	_ = 	snop  }
0x5: {  	_ = 	snop  }
0x6: {  	_ = 	snop  }
0x7: {  	_ = 	snop  }
__scs_overlays_trampoline_lowered:
0x8: {  	[smem:$0x3FAE] =	sst s0  }
0x9: {  	[smem:$0x3FAF] =	sst s1  }
0xa: {  	[smem:$0x3FB0] =	sst s2  }
0xb: {  	[smem:$0x3FB1] =	sst s3  }
0xc: {  	[smem:$0x3FB2] =	sst s4  }
0xd: {  	[smem:$0x3FB3] =	sst s5  }
0xe: {  	[smem:$0x3FB4] =	sst s6  }
0xf: {  	[smem:$0x3FB5] =	sst s7  }
0x10: {  	[smem:$0x3FB6] =	sst s8  }
0x11: {  	[smem:$0x3FB7] =	sst s9;
	s0 =	simm.s32 @!p0 $0x0  }
0x12: {  	s1 =	sld [smem:$0x3F9D];
	s0 =	simm.s32 @p0 $0x1  }
0x13: {  	[smem:$0x3FB8] =	sst s0;
	s0 =	simm.s32 @!p1 $0x0  }
0x14: {  	s2 =	sld [smem:$0x3F9C];
	s0 =	simm.s32 @p1 $0x1  }
0x15: {  	[smem:$0x3FB9] =	sst s0;
	s0 =	simm.s32 @!p2 $0x0  }
0x16: {  	s3 =	sld [smem:$0x3FDB];
	s0 =	simm.s32 @p2 $0x1  }
0x17: {  	s4 =	simm.s32 $0x1BF5;
	[smem:$0x3FBB] =	sst s0  }
0x18: {  	s0 =	sld [smem:$0x3F9E];
	_ =	swait.ge [sflag:s4], $0x0  }
0x19: {  	s7 =	sld [smem:$0x3F9F]  }
0x1a: {  	s8 =	sadd.s32 $0xFFFFE003, lr  }
0x1b: {  	s9 =	sadd.s32 $0xFFFFFEF7, lr;
	s5 =	simm.s32 $0xFFFFFFFF;
	p2 =	slt.u32 s8, $0xFFFFF086  }
0x1c: {  	p1 =	slt.u32 s9, $0xF7A;
	s5 =	simm.s32 @!p2 $0x0  }
0x1d: {  	s5 =	simm.s32 @p1 $0x1;
	p0 =	seq.s32 s7, s2  }
0x1e: {  	s7 =	smul.u32 @!p0 $0xF7A, s2;
	p2 =	seq.s32 @!p0 s5, $0x0  }
0x1f: {  	s9 =	smul.u32 $0xF7A, s1;
	s8 =	simm.s32 @!p0 $0x1BF5;
	p2 =	por !p2, p0  }
0x20: {  	[sflag:s8] =	ssyncset.s32 @!p0 $0xFFFFF086;
	s6 =	sadd.s32 @!p0 s3, s7;
	s7 =	simm.s32 @!p0 $0x108  }
0x21: {  	s3 =	sadd.s32 s3, s9;
	s6 =	sadd.s32 @!p0 $0x88, s6;
	s7 =	simm.s32 @p2 $0x1082  }
0x22: {  	[simem:s7], [sflag:s8] =	dma.local @!p0 [hbm:s6], $0xF7A  }
0x23: {  	s9 =	sor.u32 $0xD0000000, s2;
	s6 =	simm.s32 $0x108;
	_ =	swait.ge @!p0 [sflag:s8], $0x0  }
0x24: {  	s3 =	sadd.s32 $0x88, s3;
	s6 =	simm.s32 @!p1 $0x1082;
	[sflag:s4] =	ssyncset.s32 $0xFFFFF086  }
0x25: {  	[simem:s6], [sflag:s4] =	dma.local [hbm:s3], $0xF7A  }
0x26: {  	[smem:$0x3F9F] =	sst s1;
	(tag) =	ssettag s2;
	_ =	strace s9  }
0x27: {  	s1 =	sld [smem:$0x3FAF]  }
0x28: {  	s2 =	sld [smem:$0x3FB0]  }
0x29: {  	s4 =	sld [smem:$0x3FB2]  }
0x2a: {  	p0 =	seq.s32 s5, $0x0;
	s5 =	sld [smem:$0x3FB3]  }
0x2b: {  	s6 =	sld [smem:$0x3FB4]  }
0x2c: {  	s7 =	sld [smem:$0x3FB5]  }
0x2d: {  	s3 =	simm.s32 $0x108;
	s8 =	sld [smem:$0x3FB6]  }
0x2e: {  	s3 =	simm.s32 @!p0 $0x1082;
	s9 =	sld [smem:$0x3FB7]  }
0x2f: {  	lr =	sadd.s32 s0, s3;
	s0 =	sld [smem:$0x3FAE]  }
0x30: {  	s3 =	sld [smem:$0x3FB1]  }
0x31: {  	[smem:$0x3FBA] =	sst s10  }
0x32: {  	s10 =	sld [smem:$0x3FB8];
	_ =	sdelay $0x3  }
0x33: {  	p0 =	seq.s32 s10, $0x1;
	s10 =	sld [smem:$0x3FBA];
	_ =	sdelay $0x3  }
0x34: {  	[smem:$0x3FBA] =	sst s10  }
0x35: {  	s10 =	sld [smem:$0x3FB9];
	_ =	sdelay $0x3  }
0x36: {  	p1 =	seq.s32 s10, $0x1;
	s10 =	sld [smem:$0x3FBA];
	_ =	sdelay $0x3  }
0x37: {  	[smem:$0x3FBA] =	sst s10  }
0x38: {  	s10 =	sld [smem:$0x3FBB]  }
0x39: {  	_ = 	snop;
	(pc) =	sbr.ind lr, $3  }
0x3a: {  	_ = 	snop  }
0x3b: {  	_ = 	snop  }
0x3c: {  	p2 =	seq.s32 s10, $0x1;
	s10 =	sld [smem:$0x3FBA]  }
0x3d: {  	_ =	shalt  }
0x3e: {  	_ =	shalt  }
0x3f: {  	_ =	shalt  }
0x40: {  	_ =	shalt  }
0x41: {  	_ =	shalt  }
0x42: {  	_ =	shalt  }
0x43: {  	_ =	shalt  }
0x44: {  	_ =	shalt  }
0x45: {  	_ =	shalt  }
0x46: {  	_ =	shalt  }
0x47: {  	_ =	shalt  }
0x48: {  	_ =	shalt  }
0x49: {  	_ =	shalt  }
0x4a: {  	_ =	shalt  }
0x4b: {  	_ =	shalt  }
0x4c: {  	_ =	shalt  }
0x4d: {  	_ =	shalt  }
0x4e: {  	_ =	shalt  }
0x4f: {  	_ =	shalt  }
0x50: {  	_ =	shalt  }
0x51: {  	_ =	shalt  }
0x52: {  	_ =	shalt  }
0x53: {  	_ =	shalt  }
0x54: {  	_ =	shalt  }
0x55: {  	_ =	shalt  }
0x56: {  	_ =	shalt  }
0x57: {  	_ =	shalt  }
0x58: {  	_ =	shalt  }
0x59: {  	_ =	shalt  }
0x5a: {  	_ =	shalt  }
0x5b: {  	_ =	shalt  }
0x5c: {  	_ =	shalt  }
0x5d: {  	_ =	shalt  }
0x5e: {  	_ =	shalt  }
0x5f: {  	_ =	shalt  }
0x60: {  	_ =	shalt  }
0x61: {  	_ =	shalt  }
0x62: {  	_ =	shalt  }
0x63: {  	_ =	shalt  }
0x64: {  	_ =	shalt  }
0x65: {  	_ =	shalt  }
0x66: {  	_ =	shalt  }
0x67: {  	_ =	shalt  }
0x68: {  	_ =	shalt  }
0x69: {  	_ =	shalt  }
0x6a: {  	_ =	shalt  }
0x6b: {  	_ =	shalt  }
0x6c: {  	_ =	shalt  }
0x6d: {  	_ =	shalt  }
0x6e: {  	_ =	shalt  }
0x6f: {  	_ =	shalt  }
0x70: {  	_ =	shalt  }
0x71: {  	_ =	shalt  }
0x72: {  	_ =	shalt  }
0x73: {  	_ =	shalt  }
0x74: {  	_ =	shalt  }
0x75: {  	_ =	shalt  }
0x76: {  	_ =	shalt  }
0x77: {  	_ =	shalt  }
0x78: {  	_ =	shalt  }
0x79: {  	_ =	shalt  }
0x7a: {  	_ =	shalt  }
0x7b: {  	_ =	shalt  }
0x7c: {  	_ =	shalt  }
0x7d: {  	_ =	shalt  }
0x7e: {  	_ =	shalt  }
0x7f: {  	_ =	shalt  }
0x80: {  	_ =	shalt  }
0x81: {  	_ =	shalt  }
0x82: {  	_ =	shalt  }
0x83: {  	_ =	shalt  }
0x84: {  	_ =	shalt  }
0x85: {  	_ =	shalt  }
0x86: {  	_ =	shalt  }
0x87: {  	_ =	shalt  }
.Lfunc_end0:
.L_simem_size_0:
called_computation_lowered:
.L_overlay_start_0:
0x88: {  	s2 =	sld [smem:$0x3FD9]  }
0x89: {  	s3 =	sld [smem:$0x3FFE];
	_ =	sdelay $0x1  }
0x8a: {  	s1 =	srdreg.scid  }
0x8b: {  	s0 =	sand.u32 $0x1, s1  }
0x8c: {  	s18 =	sshll.u32 s0, $0xA;
	s2 =	sadd.s32 s3, s2  }
0x8d: {  	s2 =	sadd.s32 s2, s18  }
0x8e: {  	[smem:$0x3FC6] =	sst s2  }
0x8f: {  	_ = 	snop  }
0x90: {  	s2 =	sld [smem:$0x3FC9]  }
0x91: {  	s19 =	sld [smem:$0x3FC8]  }
0x92: {  	s4 =	sld [smem:$0x3FD0];
	(tm) =	ssettm $0x1  }
0x93: {  	s5 =	sld [smem:$0x3FFB];
	_ =	sdelay $0x3  }
0x94: {  	_ =	strace s5  }
0x95: {  	s5 =	sld [smem:$0x3FFC];
	_ =	sdelay $0x3  }
0x96: {  	_ =	strace s5  }
0x97: {  	s5 =	sld [smem:$0x3FFD];
	_ =	sdelay $0x3  }
0x98: {  	_ =	strace s5  }
0x99: {  	_ =	strace $0x8FFFFFFF  }
0x9a: {  	s20 =	sld [smem:$0x3FDB];
	_ =	sdelay $0x1  }
0x9b: {  	s6 =	simm.s32 $_scs_section_size  }
0x9c: {  	s7 =	simm.s32 $_size__tile_overlayer_lowered;
	s8 =	simm.s32 $_tile_overlayer_lowered  }
0x9d: {  	s23 =	simm.s32 $0x1BFF;
	s22 =	sshll.u32 s8, $0x1;
	s5 =	sadd.s32 s6, s20  }
0x9e: {  	s9 =	simm.s32 $0x0;
	s21 =	sshll.u32 s7, $0x1;
	s7 =	sadd.s32 s22, s5  }
0x9f: {  	[timem:s9], [sflag:s23] =	dma.local [hbm:s7], s21  }
0xa0: {  	_ =	swait.ge [sflag:s23], s21  }
0xa1: {  	s6 =	ssub.s32 $0x0, s21;
	[sflag:s23] =	ssyncset.done $0x0  }
0xa2: {  	[sflag:s23] =	ssyncadd.s32 s6;
	_ =	sdelay $0x1  }
0xa3: {  	s24 =	simm.s32 $0x1B8B  }
0xa4: {  	_ =	swait.ge [sflag:s24], $0x1  }
0xa5: {  	[sflag:s24] =	ssyncset.done $0x0  }
0xa6: {  	s25 =	simm.s32 $0x1B8E;
	[sflag:s24] =	ssyncadd.s32 $0xFFFFFFFF  }
0xa7: {  	s26 =	simm.s32 $execute0_lowered;
	[smem:$0x3FD2] =	sst s25  }
0xa8: {  	s6 =	sshll.u32 s26, $0x1;
	_ =	strace $0x80000046;
	[dreg:$0x1] =	wrdreg $0xFFFFFFFF  }
0xa9: {  	s28 =	simm.s32 $_size_execute0_lowered;
	s5 =	sadd.s32 s5, s6;
	[dreg:$0x0] =	wrdreg $0x0  }
0xaa: {  	s6 =	sshll.u32 s28, $0x1;
	[dreg:$0x2] =	wrdreg s5  }
0xab: {  	[dreg:$0x3] =	wrdreg s6  }
0xac: {  	[dreg:$0x4] =	wrdreg $0xC0  }
0xad: {  	_ =	task [dreg:s9], $0x5FFFF  }
0xae: {  	[dreg:$0x1] =	wrdreg $0xFFFFFFFF  }
0xaf: {  	[dreg:$0x0] =	wrdreg $0x60  }
0xb0: {  	[dreg:$0x2] =	wrdreg s2  }
0xb1: {  	[dreg:$0x3] =	wrdreg s19  }
0xb2: {  	[dreg:$0x4] =	wrdreg s4  }
0xb3: {  	[dreg:$0x5] =	wrdreg $0x9  }
0xb4: {  	_ =	task.clear_ibuf [dreg:s9], $0x6FFFF;
	_ =	strace $0x90000046  }
0xb5: {  	s29 =	simm.s32 $0x9;
	_ =	strace $0x80000048  }
0xb6: {  	_ =	swait.ge [sflag:s29], $0x1  }
0xb7: {  	[sflag:s29] =	ssyncadd.s32 $0xFFFFFFFF  }
0xb8: {  	_ =	strace $0x90000048  }
0xb9: {  	_ =	sfence  }
0xba: {  	s30 =	sld [smem:$0x0];
	_ =	sdelay $0x2  }
0xbb: {  	s31 =	sshll.u32 s1, $0xD;
	s1 =	sshrl.u32 s1, $0x2  }
0xbc: {  	s3 =	sand.u32 $0x4000, s31;
	s1 =	sadd.s32 s1, s30  }
0xbd: {  	s0 =	sor.u32 s3, s0;
	s1 =	sshll.u32 s1, $0x11  }
0xbe: {  	s0 =	sor.u32 s1, s0  }
0xbf: {  	s0 =	sadd.s32 $0x8F2B, s0  }
0xc0: {  	[sflag:s0] =	ssyncadd.remote.s32 $0x1  }
0xc1: {  	_ =	sfence.sel $0xFFFF  }
0xc2: {  	[dreg:$0x0] =	wrdreg $0xFFFFFFFF;
	(pc) =	sbr.abs _section_cstart, $3  }
0xc3: {  	[dreg:$0x1] =	wrdreg $0xFFFFFFFF  }
0xc4: {  	_ =	task.clear_ibuf [dreg:s9], $0x2FFFF;
	_ =	strace $0x9FFFFFFF  }
0xc5: {  	(tm) =	ssettm $0x7FFFFFFF  }
tec
execute0_lowered:
.L_overlay_start_1:
0x0: {  	(tag) =	ssettag $0x1  }
0x1: {  	s1 =	rddreg [dreg:$0x0]  }
0x2: {  	s8 =	rddreg [dreg:$0x1]  }
0x3: {  	s4 =	rddreg [dreg:$0x2];
	s0 =	srdreg.scid;
	s5 =	simm.s32 $0x0  }
0x4: {  	s3 =	stileid.u32;
	s29 =	simm.s32 $0x2;
	s30 =	simm.s32 $0x5  }
0x5: {  	s0 =	sand.u32 $0x1, s0;
	s3 =	sshll.u32 s3, $0x6;
	[smem:$0x7FF] =	sst s5  }
0x6: {  	s9 =	sadd.s32 $0x20, s8;
	s24 =	sadd.s32 $0x40, s8;
	s2 =	ssub.s32 $0x2, s0  }
0x7: {  	s0 =	sshll.u32 s0, $0xA;
	_ =	strace $0x80000047;
	[dreg:$0x5] =	wrdreg s9  }
0x8: {  	s25 =	sadd.s32 $0x60, s8;
	[dreg:$0x9] =	wrdreg s24;
	s6 =	sor.u32 s3, s0  }
0x9: {  	s31 =	simm.s32 $0x3;
	[dreg:$0xb] =	wrdreg s25;
	s26 =	sor.u32 $0x8, s6  }
0xa: {  	s3 =	sshll.u32 s6, $0x8;
	s28 =	sor.u32 $0xA, s6;
	[dreg:$0xc] =	wrdreg s26  }
0xb: {  	s22 =	sshll.u32 s6, $0xA;
	s10 =	sadd.s32 s8, s3;
	[dreg:$0xd] =	wrdreg s28  }
0xc: {  	s25 =	simm.s32 $0x1;
	s23 =	sadd.s32 s1, s22;
	[dreg:$0x6] =	wrdreg s10  }
0xd: {  	s7 =	sshrl.u32 s2, $0x1;
	s3 =	sadd.s32 s3, s9;
	[dreg:$0x4] =	wrdreg s23  }
0xe: {  	s21 =	ssub.s32 s2, s7;
	s2 =	sadd.s32 s4, s22;
	[dreg:$0x8] =	wrdreg s3  }
0xf: {  	s0 =	smax.u32 s21, $0x1;
	s26 =	simm.s32 $0x8000;
	[dreg:$0xa] =	wrdreg s2  }
0x10: {  	s8 =	simm.s32 $0x0;
	s7 =	sadd.s32 $0x800, s23;
	[dreg:$0xe] =	wrdreg s0  }
0x11: {  	s0 =	simm.s32 $0x6;
	s3 =	simm.s32 $0x4;
	[dreg:$0x7] =	wrdreg s7  }
.LBB2_1:
0x12: {  	[dreg:$0xf] =	wrdreg s8  }
0x13: {  	s2 =	rddreg [dreg:$0x4]  }
0x14: {  	s20 =	rddreg [dreg:$0x6]  }
0x15: {  	[tilespmem:s5], [sflag:$0x1] =	stream.linear.gather [hbm4b:s2+s5], $0x4000, $0x38;
	[tilespmem:$0x14000] =	vst v63  }
0x16: {  	s7 =	simm.s32 $0x100;
	s21 =	simm.s32 $0x400;
	s9 =	simm.s32 $0x10000  }
0x17: {  	[tilespmem:s9], [sflag:$0x1] =	stream.strided.gather [hbm4b:s20+s7], $0x1000, s21, s7, $0x38;
	[tilespmem:$0x14000] =	vst v63  }
0x18: {  	s22 =	rddreg [dreg:$0x7];
	s23 =	simm.s32 $0x4000  }
0x19: {  	[tilespmem:s23], [sflag:$0x2] =	stream.linear.gather [hbm4b:s22+s5], $0x4000, $0x38;
	[tilespmem:$0x14000] =	vst v63  }
0x1a: {  	s24 =	rddreg [dreg:$0x8];
	s28 =	simm.s32 $0x11000;
	s10 =	simm.s32 $0x0  }
0x1b: {  	[tilespmem:s28], [sflag:$0x2] =	stream.strided.gather [hbm4b:s24+s7], $0x1000, s21, s7, $0x38;
	[tilespmem:$0x14000] =	vst v63  }
.LBB2_2:
0x1c: {  	s11 =	sshll.u32 s10, $0x3;
	p0 =	seq.s32 s10, $0x0  }
0x1d: {  	s2 =	simm.s32 @!p0 $0x7;
	s9 =	sor.u32 s11, s6  }
0x1e: {  	_ =	swait.ge @!p0 [sflag:s2], $0x4000;
	s17 =	sshll.u32 s9, $0xA  }
0x1f: {  	[sflag:s2] =	ssyncset.done @!p0 $0x0;
	s7 =	sor.u32 $0x1000, s17  }
0x20: {  	s22 =	simm.s32 $0x0;
	[sflag:s2] =	ssyncadd.s32 @!p0 $0xFFFFC000;
	s20 =	sadd.s32 s1, s7  }
0x21: {  	[tilespmem:s26], [sflag:$0x3] =	stream.linear.gather [hbm4b:s20+s22], $0x4000, $0x38;
	[tilespmem:$0x14000] =	vst v63  }
0x22: {  	s8 =	simm.s32 $0x100;
	s21 =	rddreg [dreg:$0x9];
	s20 =	sshll.u32 s9, $0x8  }
0x23: {  	s23 =	simm.s32 $0x400;
	s12 =	simm.s32 $0x12000;
	s2 =	sadd.s32 s20, s21  }
0x24: {  	[tilespmem:s12], [sflag:$0x3] =	stream.strided.gather [hbm4b:s2+s8], $0x1000, s23, s8, $0x38;
	[tilespmem:$0x14000] =	vst v63  }
0x25: {  	_ =	swait.ge [sflag:s25], $0x4000  }
0x26: {  	[sflag:s25] =	ssyncset.done $0x0  }
0x27: {  	s24 =	simm.s32 $0x0;
	[sflag:s25] =	ssyncadd.s32 $0xFFFFC000  }
0x28: {  	s2 =	sand.u32 $0x3FFFFF00, s24;
	_ =	swait.ge [sflag:s25], $0x1000  }
0x29: {  	s26 =	sand.u32 $0x60, s22;
	s2 =	sadd.s32 $0x10000, s2;
	[sflag:s25] =	ssyncset.done $0x0  }
0x2a: {  	s21 =	sor.u32 s26, s2;
	[sflag:s25] =	ssyncadd.s32 $0xFFFFF000  }
0x2b: {  	v0 =	vld [tilespmem:s21+$0x0];
	_ =	sdelay $0x1  }
0x2c: {  	s24 =	simm.s32 $0x0  }
0x2d: {  	s24 =	sand.u32 $0x3FFFFE00, s24  }
0x2e: {  	s28 =	sor.u32 s26, s24  }
0x2f: {  	s12 =	sor.u32 $0x80, s28;
	[tilespmem:s28+$0x0] =	vst.add.f32.msk $0xffff, v0  }
0x30: {  	s13 =	sor.u32 $0x100, s28;
	[tilespmem:s12+$0x0] =	vst.add.f32.msk $0xffff, v0  }
0x31: {  	s14 =	sor.u32 $0x180, s28;
	[tilespmem:s13+$0x0] =	vst.add.f32.msk $0xffff, v0  }
0x32: {  	[tilespmem:s14+$0x0] =	vst.add.f32.msk $0xffff, v0  }
0x33: {  	v0 =	vld [tilespmem:s21+$0x80];
	_ =	sdelay $0x2  }
0x34: {  	s8 =	sadd.s32 $0x2000, s24  }
0x35: {  	s28 =	sor.u32 s26, s8;
	s21 =	sadd.s32 $0x2080, s24  }
0x36: {  	s13 =	sadd.s32 $0x2100, s24;
	s15 =	sor.u32 s26, s21;
	[tilespmem:s28+$0x0] =	vst.add.f32.msk $0xffff, v0  }
0x37: {  	s14 =	sadd.s32 $0x2180, s24;
	s16 =	sor.u32 s26, s13;
	[tilespmem:s15+$0x0] =	vst.add.f32.msk $0xffff, v0  }
0x38: {  	s18 =	sor.u32 $0x10, s26;
	s9 =	sor.u32 s26, s14;
	[tilespmem:s16+$0x0] =	vst.add.f32.msk $0xffff, v0  }
0x39: {  	s19 =	sor.u32 s18, s2;
	[tilespmem:s9+$0x0] =	vst.add.f32.msk $0xffff, v0  }
0x3a: {  	v0 =	vld [tilespmem:s19+$0x0];
	_ =	sdelay $0x3  }
0x3b: {  	s23 =	sor.u32 s18, s24  }
0x3c: {  	s24 =	sor.u32 $0x80, s23;
	[tilespmem:s23+$0x0] =	vst.add.f32.msk $0xffff, v0  }
0x3d: {  	s26 =	sor.u32 $0x100, s23;
	[tilespmem:s24+$0x0] =	vst.add.f32.msk $0xffff, v0  }
0x3e: {  	s2 =	sor.u32 $0x180, s23;
	[tilespmem:s26+$0x0] =	vst.add.f32.msk $0xffff, v0  }
0x3f: {  	s21 =	sor.u32 s18, s21;
	s28 =	sor.u32 s18, s8;
	[tilespmem:s2+$0x0] =	vst.add.f32.msk $0xffff, v0  }
0x40: {  	s9 =	simm.s32 $0x0;
	s24 =	sor.u32 s18, s14;
	s2 =	sor.u32 s18, s13;
	v0 =	vld [tilespmem:s19+$0x80]  }
.LBB2_3:
0x41: {  	_ =	sdelay $0x2  }
0x42: {  	s9 =	sadd.s32 $0x2, s9  }
0x43: {  	s8 =	sshll.u32 s9, $0x5;
	s12 =	sshll.u32 s9, $0x6;
	p1 =	slt.u32 s9, $0x7E;
	[tilespmem:s28+$0x0] =	vst.add.f32.msk $0xffff, v0  }
0x44: {  	s22 =	sadd.s32 $0x20, s22;
	s8 =	sand.u32 $0x3FFFFF00, s8;
	[tilespmem:s21+$0x0] =	vst.add.f32.msk $0xffff, v0  }
0x45: {  	s13 =	sand.u32 $0x60, s22;
	s8 =	sadd.s32 $0x10000, s8;
	[tilespmem:s2+$0x0] =	vst.add.f32.msk $0xffff, v0  }
0x46: {  	s15 =	sor.u32 $0x10, s13;
	s14 =	sor.u32 s13, s8;
	[tilespmem:s24+$0x0] =	vst.add.f32.msk $0xffff, v0  }
0x47: {  	v0 =	vld [tilespmem:s14+$0x0];
	_ =	sdelay $0x2  }
0x48: {  	s2 =	sand.u32 $0x3FFFFE00, s12  }
0x49: {  	s12 =	sor.u32 s13, s2;
	s21 =	sadd.s32 $0x2000, s2;
	s24 =	sadd.s32 $0x2080, s2  }
0x4a: {  	s28 =	sor.u32 $0x80, s12;
	s16 =	sor.u32 s13, s21;
	s23 =	sor.u32 s13, s24;
	[tilespmem:s12+$0x0] =	vst.add.f32.msk $0xffff, v0  }
0x4b: {  	s26 =	sadd.s32 $0x2100, s2;
	s18 =	sadd.s32 $0x2180, s2;
	[tilespmem:s28+$0x0] =	vst.add.f32.msk $0xffff, v0;
	s28 =	sor.u32 $0x100, s12  }
0x4c: {  	s19 =	sor.u32 s13, s26;
	s13 =	sor.u32 s13, s18;
	s12 =	sor.u32 $0x180, s12;
	[tilespmem:s28+$0x0] =	vst.add.f32.msk $0xffff, v0  }
0x4d: {  	s28 =	sor.u32 s15, s21;
	[tilespmem:s12+$0x0] =	vst.add.f32.msk $0xffff, v0;
	s12 =	sor.u32 s15, s2;
	s2 =	sor.u32 s15, s26  }
0x4e: {  	s21 =	sor.u32 s15, s24;
	s24 =	sor.u32 s15, s18;
	v0 =	vld [tilespmem:s14+$0x80];
	_ =	sdelay $0x4  }
0x4f: {  	[tilespmem:s16+$0x0] =	vst.add.f32.msk $0xffff, v0  }
0x50: {  	[tilespmem:s23+$0x0] =	vst.add.f32.msk $0xffff, v0  }
0x51: {  	[tilespmem:s19+$0x0] =	vst.add.f32.msk $0xffff, v0  }
0x52: {  	s8 =	sor.u32 s15, s8;
	[tilespmem:s13+$0x0] =	vst.add.f32.msk $0xffff, v0  }
0x53: {  	v0 =	vld [tilespmem:s8+$0x0];
	_ =	sdelay $0x4  }
.Ltmp0:
0x54: {  	s13 =	sor.u32 $0x80, s12;
	[tilespmem:s12+$0x0] =	vst.add.f32.msk $0xffff, v0;
	(pc) =	sbr.rel @p1 .LBB2_3-.Ltmp0, $4  }
0x55: {  	[tilespmem:s13+$0x0] =	vst.add.f32.msk $0xffff, v0;
	s13 =	sor.u32 $0x100, s12  }
0x56: {  	s12 =	sor.u32 $0x180, s12;
	[tilespmem:s13+$0x0] =	vst.add.f32.msk $0xffff, v0  }
0x57: {  	[tilespmem:s12+$0x0] =	vst.add.f32.msk $0xffff, v0  }
0x58: {  	v0 =	vld [tilespmem:s8+$0x80]  }
0x59: {  	_ =	sdelay $0x3  }
0x5a: {  	[tilespmem:s28+$0x0] =	vst.add.f32.msk $0xffff, v0  }
0x5b: {  	[tilespmem:s21+$0x0] =	vst.add.f32.msk $0xffff, v0  }
0x5c: {  	s15 =	sshll.u32 s10, $0xD;
	s8 =	rddreg [dreg:$0xa];
	[tilespmem:s2+$0x0] =	vst.add.f32.msk $0xffff, v0  }
0x5d: {  	s2 =	sadd.s32 s15, s8;
	[tilespmem:s24+$0x0] =	vst.add.f32.msk $0xffff, v0  }
0x5e: {  	[hbm4b:s2+s5] =	stream.linear.scatter [tilespmem:s5], [sflag:$0x5], $0x4000, $0x38;
	[tilespmem:$0x14000] =	vst v63  }
0x5f: {  	s2 =	simm.s32 @!p0 $0x8  }
0x60: {  	s17 =	sor.u32 $0x1800, s17;
	s22 =	simm.s32 $0x0;
	_ =	swait.ge @!p0 [sflag:s2], $0x4000  }
0x61: {  	s18 =	simm.s32 $0xC000;
	s9 =	simm.s32 $0x400;
	[sflag:s2] =	ssyncset.done @!p0 $0x0  }
0x62: {  	s16 =	sadd.s32 s1, s17;
	s19 =	rddreg [dreg:$0xb];
	[sflag:s2] =	ssyncadd.s32 @!p0 $0xFFFFC000  }
0x63: {  	[tilespmem:s18], [sflag:$0x4] =	stream.linear.gather [hbm4b:s16+s22], $0x4000, $0x38;
	[tilespmem:$0x14000] =	vst v63  }
0x64: {  	s12 =	simm.s32 $0x13000;
	s2 =	sadd.s32 s20, s19;
	s20 =	simm.s32 $0x100  }
0x65: {  	[tilespmem:s12], [sflag:$0x4] =	stream.strided.gather [hbm4b:s2+s20], $0x1000, s9, s20, $0x38;
	[tilespmem:$0x14000] =	vst v63  }
0x66: {  	_ =	swait.ge [sflag:s29], $0x4000  }
0x67: {  	[sflag:s29] =	ssyncset.done $0x0  }
0x68: {  	s21 =	simm.s32 $0x0;
	[sflag:s29] =	ssyncadd.s32 $0xFFFFC000  }
0x69: {  	s2 =	sand.u32 $0x3FFFFF00, s21;
	_ =	swait.ge [sflag:s29], $0x1000  }
0x6a: {  	s8 =	sand.u32 $0x60, s22;
	s2 =	sadd.s32 $0x11000, s2;
	[sflag:s29] =	ssyncset.done $0x0  }
0x6b: {  	s23 =	sor.u32 s8, s2;
	[sflag:s29] =	ssyncadd.s32 $0xFFFFF000  }
0x6c: {  	v0 =	vld [tilespmem:s23+$0x0]  }
0x6d: {  	s24 =	simm.s32 $0x0  }
0x6e: {  	s12 =	sand.u32 $0x3FFFFE00, s24  }
0x6f: {  	s13 =	sadd.s32 $0x4000, s12  }
0x70: {  	s14 =	sor.u32 s8, s13  }
0x71: {  	s15 =	sor.u32 $0x80, s14;
	[tilespmem:s14+$0x0] =	vst.add.f32.msk $0xffff, v0  }
0x72: {  	s26 =	sor.u32 $0x100, s14;
	[tilespmem:s15+$0x0] =	vst.add.f32.msk $0xffff, v0  }
0x73: {  	s14 =	sor.u32 $0x180, s14;
	[tilespmem:s26+$0x0] =	vst.add.f32.msk $0xffff, v0  }
0x74: {  	[tilespmem:s14+$0x0] =	vst.add.f32.msk $0xffff, v0  }
0x75: {  	v0 =	vld [tilespmem:s23+$0x80];
	_ =	sdelay $0x2  }
0x76: {  	s9 =	sadd.s32 $0x6000, s12  }
0x77: {  	s18 =	sadd.s32 $0x6080, s12;
	s15 =	sor.u32 s8, s9  }
0x78: {  	s16 =	sadd.s32 $0x6100, s12;
	s19 =	sor.u32 s8, s18;
	[tilespmem:s15+$0x0] =	vst.add.f32.msk $0xffff, v0  }
0x79: {  	s12 =	sadd.s32 $0x6180, s12;
	s20 =	sor.u32 s8, s16;
	[tilespmem:s19+$0x0] =	vst.add.f32.msk $0xffff, v0  }
0x7a: {  	s21 =	sor.u32 s8, s12;
	s8 =	sor.u32 $0x10, s8;
	[tilespmem:s20+$0x0] =	vst.add.f32.msk $0xffff, v0  }
0x7b: {  	s23 =	sor.u32 s8, s2;
	[tilespmem:s21+$0x0] =	vst.add.f32.msk $0xffff, v0  }
0x7c: {  	v0 =	vld [tilespmem:s23+$0x0];
	_ =	sdelay $0x3  }
0x7d: {  	s24 =	sor.u32 s8, s13  }
0x7e: {  	s13 =	sor.u32 $0x80, s24;
	[tilespmem:s24+$0x0] =	vst.add.f32.msk $0xffff, v0  }
0x7f: {  	s26 =	sor.u32 $0x100, s24;
	[tilespmem:s13+$0x0] =	vst.add.f32.msk $0xffff, v0  }
0x80: {  	s2 =	sor.u32 $0x180, s24;
	[tilespmem:s26+$0x0] =	vst.add.f32.msk $0xffff, v0  }
0x81: {  	s28 =	sor.u32 s8, s9;
	s9 =	sor.u32 s8, s12;
	[tilespmem:s2+$0x0] =	vst.add.f32.msk $0xffff, v0  }
0x82: {  	s20 =	simm.s32 $0x0;
	s24 =	sor.u32 s8, s18;
	s2 =	sor.u32 s8, s16;
	v0 =	vld [tilespmem:s23+$0x80]  }
.LBB2_5:
0x83: {  	_ =	sdelay $0x2  }
0x84: {  	s20 =	sadd.s32 $0x2, s20  }
0x85: {  	s8 =	sshll.u32 s20, $0x5;
	s12 =	sshll.u32 s20, $0x6;
	p0 =	slt.u32 s20, $0x7E;
	[tilespmem:s28+$0x0] =	vst.add.f32.msk $0xffff, v0  }
0x86: {  	s22 =	sadd.s32 $0x20, s22;
	s8 =	sand.u32 $0x3FFFFF00, s8;
	s12 =	sand.u32 $0x3FFFFE00, s12;
	[tilespmem:s24+$0x0] =	vst.add.f32.msk $0xffff, v0  }
0x87: {  	s13 =	sand.u32 $0x60, s22;
	s8 =	sadd.s32 $0x11000, s8;
	s14 =	sadd.s32 $0x4000, s12;
	[tilespmem:s2+$0x0] =	vst.add.f32.msk $0xffff, v0  }
0x88: {  	s15 =	sor.u32 s13, s8;
	s16 =	sor.u32 s13, s14;
	s2 =	sadd.s32 $0x6000, s12;
	[tilespmem:s9+$0x0] =	vst.add.f32.msk $0xffff, v0  }
0x89: {  	s19 =	sadd.s32 $0x6100, s12;
	s18 =	sor.u32 s13, s2;
	s9 =	sadd.s32 $0x6080, s12;
	v0 =	vld [tilespmem:s15+$0x0]  }
0x8a: {  	s23 =	sor.u32 s13, s19;
	s12 =	sadd.s32 $0x6180, s12;
	s21 =	sor.u32 s13, s9  }
0x8b: {  	s26 =	sor.u32 s13, s12;
	s13 =	sor.u32 $0x10, s13  }
0x8c: {  	s14 =	sor.u32 s13, s14;
	s28 =	sor.u32 s13, s2;
	s24 =	sor.u32 s13, s9  }
0x8d: {  	s2 =	sor.u32 s13, s19;
	s9 =	sor.u32 s13, s12  }
0x8e: {  	s12 =	sor.u32 $0x80, s16;
	[tilespmem:s16+$0x0] =	vst.add.f32.msk $0xffff, v0  }
0x8f: {  	[tilespmem:s12+$0x0] =	vst.add.f32.msk $0xffff, v0;
	s12 =	sor.u32 $0x100, s16  }
0x90: {  	[tilespmem:s12+$0x0] =	vst.add.f32.msk $0xffff, v0;
	s12 =	sor.u32 $0x180, s16  }
0x91: {  	[tilespmem:s12+$0x0] =	vst.add.f32.msk $0xffff, v0  }
0x92: {  	v0 =	vld [tilespmem:s15+$0x80];
	_ =	sdelay $0x4  }
0x93: {  	[tilespmem:s18+$0x0] =	vst.add.f32.msk $0xffff, v0  }
0x94: {  	[tilespmem:s21+$0x0] =	vst.add.f32.msk $0xffff, v0  }
0x95: {  	[tilespmem:s23+$0x0] =	vst.add.f32.msk $0xffff, v0  }
0x96: {  	s8 =	sor.u32 s13, s8;
	[tilespmem:s26+$0x0] =	vst.add.f32.msk $0xffff, v0  }
0x97: {  	v0 =	vld [tilespmem:s8+$0x0];
	_ =	sdelay $0x4  }
.Ltmp1:
0x98: {  	s12 =	sor.u32 $0x80, s14;
	[tilespmem:s14+$0x0] =	vst.add.f32.msk $0xffff, v0;
	(pc) =	sbr.rel @p0 .LBB2_5-.Ltmp1, $4  }
0x99: {  	[tilespmem:s12+$0x0] =	vst.add.f32.msk $0xffff, v0;
	s12 =	sor.u32 $0x100, s14  }
0x9a: {  	[tilespmem:s12+$0x0] =	vst.add.f32.msk $0xffff, v0;
	s12 =	sor.u32 $0x180, s14  }
0x9b: {  	[tilespmem:s12+$0x0] =	vst.add.f32.msk $0xffff, v0  }
0x9c: {  	v0 =	vld [tilespmem:s8+$0x80]  }
0x9d: {  	_ =	sdelay $0x3  }
0x9e: {  	s8 =	sadd.s32 s11, s6;
	[tilespmem:s28+$0x0] =	vst.add.f32.msk $0xffff, v0  }
0x9f: {  	s8 =	sshll.u32 s8, $0xA;
	[tilespmem:s24+$0x0] =	vst.add.f32.msk $0xffff, v0  }
0xa0: {  	s20 =	sadd.s32 s4, s8;
	[tilespmem:s2+$0x0] =	vst.add.f32.msk $0xffff, v0  }
0xa1: {  	s21 =	simm.s32 $0x4000;
	s2 =	sadd.s32 $0x800, s20;
	[tilespmem:s9+$0x0] =	vst.add.f32.msk $0xffff, v0  }
0xa2: {  	[hbm4b:s2+s5] =	stream.linear.scatter [tilespmem:s21], [sflag:$0x6], $0x4000, $0x38;
	[tilespmem:$0x14000] =	vst v63  }
0xa3: {  	_ =	swait.ge [sflag:s30], $0x4000  }
0xa4: {  	p0 =	seq.s32 s10, $0x7;
	s2 =	rddreg [dreg:$0xc]  }
0xa5: {  	s2 =	sadd.s32 @!p0 s11, s2  }
0xa6: {  	[sflag:s30] =	ssyncset.done $0x0;
	s8 =	sshll.u32 @!p0 s2, $0xA  }
0xa7: {  	s9 =	simm.s32 @!p0 $0x0;
	[sflag:s30] =	ssyncadd.s32 $0xFFFFC000;
	s8 =	sadd.s32 @!p0 s1, s8  }
0xa8: {  	[tilespmem:s9], [sflag:$0x1] =	stream.linear.gather @!p0 [hbm4b:s8+s9], $0x4000, $0x38;
	[tilespmem:$0x14000] =	vst v63  }
0xa9: {  	s12 =	simm.s32 @!p0 $0x10000;
	s2 =	sshll.u32 @!p0 s2, $0x8;
	s8 =	rddreg [dreg:$0x1]  }
0xaa: {  	s9 =	simm.s32 @!p0 $0x400;
	s2 =	sadd.s32 @!p0 s8, s2;
	s8 =	simm.s32 @!p0 $0x100  }
0xab: {  	[tilespmem:s12], [sflag:$0x1] =	stream.strided.gather @!p0 [hbm4b:s2+s8], $0x1000, s9, s8, $0x38;
	[tilespmem:$0x14000] =	vst v63  }
0xac: {  	_ =	swait.ge [sflag:s31], $0x4000  }
0xad: {  	[sflag:s31] =	ssyncset.done $0x0  }
0xae: {  	s22 =	simm.s32 $0x0;
	[sflag:s31] =	ssyncadd.s32 $0xFFFFC000  }
0xaf: {  	s20 =	simm.s32 $0x0;
	s2 =	sand.u32 $0x3FFFFF00, s22;
	_ =	swait.ge [sflag:s31], $0x1000  }
0xb0: {  	s8 =	sand.u32 $0x60, s20;
	s2 =	sadd.s32 $0x12000, s2;
	[sflag:s31] =	ssyncset.done $0x0  }
0xb1: {  	s23 =	sor.u32 s8, s2;
	[sflag:s31] =	ssyncadd.s32 $0xFFFFF000  }
0xb2: {  	v0 =	vld [tilespmem:s23+$0x0]  }
0xb3: {  	s24 =	simm.s32 $0x0  }
0xb4: {  	s12 =	sand.u32 $0x3FFFFE00, s24  }
0xb5: {  	s13 =	sadd.s32 $0x8000, s12  }
0xb6: {  	s14 =	sor.u32 s8, s13  }
0xb7: {  	s15 =	sor.u32 $0x80, s14;
	[tilespmem:s14+$0x0] =	vst.add.f32.msk $0xffff, v0  }
0xb8: {  	s26 =	sor.u32 $0x100, s14;
	[tilespmem:s15+$0x0] =	vst.add.f32.msk $0xffff, v0  }
0xb9: {  	s14 =	sor.u32 $0x180, s14;
	[tilespmem:s26+$0x0] =	vst.add.f32.msk $0xffff, v0  }
0xba: {  	[tilespmem:s14+$0x0] =	vst.add.f32.msk $0xffff, v0  }
0xbb: {  	v0 =	vld [tilespmem:s23+$0x80];
	_ =	sdelay $0x2  }
0xbc: {  	s9 =	sadd.s32 $0xA000, s12  }
0xbd: {  	s18 =	sadd.s32 $0xA080, s12;
	s15 =	sor.u32 s8, s9  }
0xbe: {  	s16 =	sadd.s32 $0xA100, s12;
	s19 =	sor.u32 s8, s18;
	[tilespmem:s15+$0x0] =	vst.add.f32.msk $0xffff, v0  }
0xbf: {  	s12 =	sadd.s32 $0xA180, s12;
	s21 =	sor.u32 s8, s16;
	[tilespmem:s19+$0x0] =	vst.add.f32.msk $0xffff, v0  }
0xc0: {  	s22 =	sor.u32 s8, s12;
	s8 =	sor.u32 $0x10, s8;
	[tilespmem:s21+$0x0] =	vst.add.f32.msk $0xffff, v0  }
0xc1: {  	s23 =	sor.u32 s8, s2;
	[tilespmem:s22+$0x0] =	vst.add.f32.msk $0xffff, v0  }
0xc2: {  	v0 =	vld [tilespmem:s23+$0x0];
	_ =	sdelay $0x3  }
0xc3: {  	s24 =	sor.u32 s8, s13  }
0xc4: {  	s13 =	sor.u32 $0x80, s24;
	[tilespmem:s24+$0x0] =	vst.add.f32.msk $0xffff, v0  }
0xc5: {  	s26 =	sor.u32 $0x100, s24;
	[tilespmem:s13+$0x0] =	vst.add.f32.msk $0xffff, v0  }
0xc6: {  	s2 =	sor.u32 $0x180, s24;
	[tilespmem:s26+$0x0] =	vst.add.f32.msk $0xffff, v0  }
0xc7: {  	s28 =	sor.u32 s8, s9;
	s9 =	sor.u32 s8, s12;
	[tilespmem:s2+$0x0] =	vst.add.f32.msk $0xffff, v0  }
0xc8: {  	s22 =	simm.s32 $0x0;
	s24 =	sor.u32 s8, s18;
	s2 =	sor.u32 s8, s16;
	v0 =	vld [tilespmem:s23+$0x80]  }
.LBB2_7:
0xc9: {  	_ =	sdelay $0x2  }
0xca: {  	s22 =	sadd.s32 $0x2, s22  }
0xcb: {  	s8 =	sshll.u32 s22, $0x5;
	s12 =	sshll.u32 s22, $0x6;
	p1 =	slt.u32 s22, $0x7E;
	[tilespmem:s28+$0x0] =	vst.add.f32.msk $0xffff, v0  }
0xcc: {  	s20 =	sadd.s32 $0x20, s20;
	s8 =	sand.u32 $0x3FFFFF00, s8;
	s12 =	sand.u32 $0x3FFFFE00, s12;
	[tilespmem:s24+$0x0] =	vst.add.f32.msk $0xffff, v0  }
0xcd: {  	s13 =	sand.u32 $0x60, s20;
	s8 =	sadd.s32 $0x12000, s8;
	s14 =	sadd.s32 $0x8000, s12;
	[tilespmem:s2+$0x0] =	vst.add.f32.msk $0xffff, v0  }
0xce: {  	s15 =	sor.u32 s13, s8;
	s16 =	sor.u32 s13, s14;
	s2 =	sadd.s32 $0xA000, s12;
	[tilespmem:s9+$0x0] =	vst.add.f32.msk $0xffff, v0  }
0xcf: {  	s19 =	sadd.s32 $0xA100, s12;
	s18 =	sor.u32 s13, s2;
	s9 =	sadd.s32 $0xA080, s12;
	v0 =	vld [tilespmem:s15+$0x0]  }
0xd0: {  	s23 =	sor.u32 s13, s19;
	s12 =	sadd.s32 $0xA180, s12;
	s21 =	sor.u32 s13, s9  }
0xd1: {  	s26 =	sor.u32 s13, s12;
	s13 =	sor.u32 $0x10, s13  }
0xd2: {  	s14 =	sor.u32 s13, s14;
	s28 =	sor.u32 s13, s2;
	s24 =	sor.u32 s13, s9  }
0xd3: {  	s2 =	sor.u32 s13, s19;
	s9 =	sor.u32 s13, s12  }
0xd4: {  	s12 =	sor.u32 $0x80, s16;
	[tilespmem:s16+$0x0] =	vst.add.f32.msk $0xffff, v0  }
0xd5: {  	[tilespmem:s12+$0x0] =	vst.add.f32.msk $0xffff, v0;
	s12 =	sor.u32 $0x100, s16  }
0xd6: {  	[tilespmem:s12+$0x0] =	vst.add.f32.msk $0xffff, v0;
	s12 =	sor.u32 $0x180, s16  }
0xd7: {  	[tilespmem:s12+$0x0] =	vst.add.f32.msk $0xffff, v0  }
0xd8: {  	v0 =	vld [tilespmem:s15+$0x80];
	_ =	sdelay $0x4  }
0xd9: {  	[tilespmem:s18+$0x0] =	vst.add.f32.msk $0xffff, v0  }
0xda: {  	[tilespmem:s21+$0x0] =	vst.add.f32.msk $0xffff, v0  }
0xdb: {  	[tilespmem:s23+$0x0] =	vst.add.f32.msk $0xffff, v0  }
0xdc: {  	s8 =	sor.u32 s13, s8;
	[tilespmem:s26+$0x0] =	vst.add.f32.msk $0xffff, v0  }
0xdd: {  	v0 =	vld [tilespmem:s8+$0x0];
	_ =	sdelay $0x4  }
.Ltmp2:
0xde: {  	s12 =	sor.u32 $0x80, s14;
	[tilespmem:s14+$0x0] =	vst.add.f32.msk $0xffff, v0;
	(pc) =	sbr.rel @p1 .LBB2_7-.Ltmp2, $4  }
0xdf: {  	[tilespmem:s12+$0x0] =	vst.add.f32.msk $0xffff, v0;
	s12 =	sor.u32 $0x100, s14  }
0xe0: {  	[tilespmem:s12+$0x0] =	vst.add.f32.msk $0xffff, v0;
	s12 =	sor.u32 $0x180, s14  }
0xe1: {  	[tilespmem:s12+$0x0] =	vst.add.f32.msk $0xffff, v0  }
0xe2: {  	v0 =	vld [tilespmem:s8+$0x80]  }
0xe3: {  	_ =	sdelay $0x3  }
0xe4: {  	[tilespmem:s28+$0x0] =	vst.add.f32.msk $0xffff, v0  }
0xe5: {  	[tilespmem:s24+$0x0] =	vst.add.f32.msk $0xffff, v0  }
0xe6: {  	[tilespmem:s2+$0x0] =	vst.add.f32.msk $0xffff, v0  }
0xe7: {  	s20 =	sadd.s32 s4, s7;
	s26 =	simm.s32 $0x8000;
	[tilespmem:s9+$0x0] =	vst.add.f32.msk $0xffff, v0  }
0xe8: {  	[hbm4b:s20+s5] =	stream.linear.scatter [tilespmem:s26], [sflag:$0x7], $0x4000, $0x38;
	[tilespmem:$0x14000] =	vst v63  }
0xe9: {  	_ =	swait.ge [sflag:s0], $0x4000  }
0xea: {  	s2 =	rddreg [dreg:$0xd]  }
0xeb: {  	s8 =	simm.s32 @!p0 $0x0;
	s2 =	sadd.s32 @!p0 s11, s2  }
0xec: {  	s9 =	simm.s32 @!p0 $0x4000;
	[sflag:s0] =	ssyncset.done $0x0;
	s7 =	sshll.u32 @!p0 s2, $0xA  }
0xed: {  	[sflag:s0] =	ssyncadd.s32 $0xFFFFC000;
	s2 =	sshll.u32 @!p0 s2, $0x8;
	s7 =	sadd.s32 @!p0 s1, s7  }
0xee: {  	[tilespmem:s9], [sflag:$0x2] =	stream.linear.gather @!p0 [hbm4b:s7+s8], $0x4000, $0x38;
	[tilespmem:$0x14000] =	vst v63  }
0xef: {  	s2 =	sand.u32 @!p0 $0xFF800, s2;
	s7 =	rddreg [dreg:$0x5];
	s8 =	simm.s32 @!p0 $0x400  }
0xf0: {  	s9 =	simm.s32 @!p0 $0x11000;
	s2 =	sadd.s32 @!p0 s2, s7;
	s7 =	simm.s32 @!p0 $0x100  }
0xf1: {  	[tilespmem:s9], [sflag:$0x2] =	stream.strided.gather @!p0 [hbm4b:s2+s7], $0x1000, s8, s7, $0x38;
	[tilespmem:$0x14000] =	vst v63  }
0xf2: {  	_ =	swait.ge [sflag:s3], $0x4000  }
0xf3: {  	[sflag:s3] =	ssyncset.done $0x0  }
0xf4: {  	s21 =	simm.s32 $0x0;
	[sflag:s3] =	ssyncadd.s32 $0xFFFFC000  }
0xf5: {  	s7 =	simm.s32 $0x0;
	s2 =	sand.u32 $0x3FFFFF00, s21;
	_ =	swait.ge [sflag:s3], $0x1000  }
0xf6: {  	s22 =	sand.u32 $0x60, s7;
	s2 =	sadd.s32 $0x13000, s2;
	[sflag:s3] =	ssyncset.done $0x0  }
0xf7: {  	s23 =	sor.u32 s22, s2;
	[sflag:s3] =	ssyncadd.s32 $0xFFFFF000  }
0xf8: {  	v0 =	vld [tilespmem:s23+$0x0]  }
0xf9: {  	s24 =	simm.s32 $0x0  }
0xfa: {  	s11 =	sand.u32 $0x3FFFFE00, s24  }
0xfb: {  	s12 =	sadd.s32 $0xC000, s11  }
0xfc: {  	s13 =	sor.u32 s22, s12  }
0xfd: {  	s14 =	sor.u32 $0x80, s13;
	[tilespmem:s13+$0x0] =	vst.add.f32.msk $0xffff, v0  }
0xfe: {  	s28 =	sor.u32 $0x100, s13;
	[tilespmem:s14+$0x0] =	vst.add.f32.msk $0xffff, v0  }
0xff: {  	s13 =	sor.u32 $0x180, s13;
	[tilespmem:s28+$0x0] =	vst.add.f32.msk $0xffff, v0  }
0x100: {  	[tilespmem:s13+$0x0] =	vst.add.f32.msk $0xffff, v0  }
0x101: {  	v0 =	vld [tilespmem:s23+$0x80];
	_ =	sdelay $0x2  }
0x102: {  	s14 =	sadd.s32 $0xE000, s11  }
0x103: {  	s19 =	sadd.s32 $0xE080, s11;
	s18 =	sor.u32 s22, s14  }
0x104: {  	s15 =	sadd.s32 $0xE100, s11;
	s16 =	sor.u32 s22, s19;
	[tilespmem:s18+$0x0] =	vst.add.f32.msk $0xffff, v0  }
0x105: {  	s20 =	sor.u32 s22, s15;
	s18 =	sadd.s32 $0xE180, s11;
	[tilespmem:s16+$0x0] =	vst.add.f32.msk $0xffff, v0  }
0x106: {  	s8 =	sor.u32 $0x10, s22;
	s11 =	sor.u32 s22, s18;
	[tilespmem:s20+$0x0] =	vst.add.f32.msk $0xffff, v0  }
0x107: {  	s21 =	sor.u32 s8, s2;
	[tilespmem:s11+$0x0] =	vst.add.f32.msk $0xffff, v0  }
0x108: {  	v0 =	vld [tilespmem:s21+$0x0];
	_ =	sdelay $0x3  }
0x109: {  	s23 =	sor.u32 s8, s12  }
0x10a: {  	s24 =	sor.u32 $0x80, s23;
	[tilespmem:s23+$0x0] =	vst.add.f32.msk $0xffff, v0  }
0x10b: {  	s28 =	sor.u32 $0x100, s23;
	[tilespmem:s24+$0x0] =	vst.add.f32.msk $0xffff, v0  }
0x10c: {  	s2 =	sor.u32 $0x180, s23;
	[tilespmem:s28+$0x0] =	vst.add.f32.msk $0xffff, v0  }
0x10d: {  	s22 =	sor.u32 s8, s14;
	s9 =	sor.u32 s8, s18;
	[tilespmem:s2+$0x0] =	vst.add.f32.msk $0xffff, v0  }
0x10e: {  	s20 =	sor.u32 s8, s19;
	s11 =	simm.s32 $0x0;
	s2 =	sor.u32 s8, s15;
	v0 =	vld [tilespmem:s21+$0x80]  }
.LBB2_9:
0x10f: {  	_ =	sdelay $0x2  }
0x110: {  	s11 =	sadd.s32 $0x2, s11  }
0x111: {  	s8 =	sshll.u32 s11, $0x5;
	s12 =	sshll.u32 s11, $0x6;
	p0 =	slt.u32 s11, $0x7E;
	[tilespmem:s22+$0x0] =	vst.add.f32.msk $0xffff, v0  }
0x112: {  	s7 =	sadd.s32 $0x20, s7;
	s8 =	sand.u32 $0x3FFFFF00, s8;
	s12 =	sand.u32 $0x3FFFFE00, s12;
	[tilespmem:s20+$0x0] =	vst.add.f32.msk $0xffff, v0  }
0x113: {  	s13 =	sand.u32 $0x60, s7;
	s8 =	sadd.s32 $0x13000, s8;
	s14 =	sadd.s32 $0xC000, s12;
	[tilespmem:s2+$0x0] =	vst.add.f32.msk $0xffff, v0  }
0x114: {  	s15 =	sor.u32 s13, s8;
	s16 =	sor.u32 s13, s14;
	s2 =	sadd.s32 $0xE000, s12;
	[tilespmem:s9+$0x0] =	vst.add.f32.msk $0xffff, v0  }
0x115: {  	s19 =	sadd.s32 $0xE100, s12;
	s18 =	sor.u32 s13, s2;
	s9 =	sadd.s32 $0xE080, s12;
	v0 =	vld [tilespmem:s15+$0x0]  }
0x116: {  	s23 =	sor.u32 s13, s19;
	s12 =	sadd.s32 $0xE180, s12;
	s21 =	sor.u32 s13, s9  }
0x117: {  	s24 =	sor.u32 s13, s12;
	s13 =	sor.u32 $0x10, s13  }
0x118: {  	s14 =	sor.u32 s13, s14;
	s22 =	sor.u32 s13, s2;
	s20 =	sor.u32 s13, s9  }
0x119: {  	s2 =	sor.u32 s13, s19;
	s9 =	sor.u32 s13, s12  }
0x11a: {  	s12 =	sor.u32 $0x80, s16;
	[tilespmem:s16+$0x0] =	vst.add.f32.msk $0xffff, v0  }
0x11b: {  	[tilespmem:s12+$0x0] =	vst.add.f32.msk $0xffff, v0;
	s12 =	sor.u32 $0x100, s16  }
0x11c: {  	[tilespmem:s12+$0x0] =	vst.add.f32.msk $0xffff, v0;
	s12 =	sor.u32 $0x180, s16  }
0x11d: {  	[tilespmem:s12+$0x0] =	vst.add.f32.msk $0xffff, v0  }
0x11e: {  	v0 =	vld [tilespmem:s15+$0x80];
	_ =	sdelay $0x4  }
0x11f: {  	[tilespmem:s18+$0x0] =	vst.add.f32.msk $0xffff, v0  }
0x120: {  	[tilespmem:s21+$0x0] =	vst.add.f32.msk $0xffff, v0  }
0x121: {  	[tilespmem:s23+$0x0] =	vst.add.f32.msk $0xffff, v0  }
0x122: {  	s8 =	sor.u32 s13, s8;
	[tilespmem:s24+$0x0] =	vst.add.f32.msk $0xffff, v0  }
0x123: {  	v0 =	vld [tilespmem:s8+$0x0];
	_ =	sdelay $0x4  }
.Ltmp3:
0x124: {  	s12 =	sor.u32 $0x80, s14;
	[tilespmem:s14+$0x0] =	vst.add.f32.msk $0xffff, v0;
	(pc) =	sbr.rel @p0 .LBB2_9-.Ltmp3, $4  }
0x125: {  	[tilespmem:s12+$0x0] =	vst.add.f32.msk $0xffff, v0;
	s12 =	sor.u32 $0x100, s14  }
0x126: {  	[tilespmem:s12+$0x0] =	vst.add.f32.msk $0xffff, v0;
	s12 =	sor.u32 $0x180, s14  }
0x127: {  	[tilespmem:s12+$0x0] =	vst.add.f32.msk $0xffff, v0  }
0x128: {  	v0 =	vld [tilespmem:s8+$0x80]  }
0x129: {  	_ =	sdelay $0x1  }
0x12a: {  	s10 =	sadd.s32 $0x1, s10  }
0x12b: {  	p0 =	sne.s32 s10, $0x8  }
.Ltmp4:
0x12c: {  	[tilespmem:s22+$0x0] =	vst.add.f32.msk $0xffff, v0;
	(pc) =	sbr.rel @p0 .LBB2_2-.Ltmp4, $4  }
0x12d: {  	[tilespmem:s20+$0x0] =	vst.add.f32.msk $0xffff, v0  }
0x12e: {  	[tilespmem:s2+$0x0] =	vst.add.f32.msk $0xffff, v0  }
0x12f: {  	s28 =	sadd.s32 s4, s17;
	s7 =	simm.s32 $0xC000;
	[tilespmem:s9+$0x0] =	vst.add.f32.msk $0xffff, v0  }
0x130: {  	[hbm4b:s28+s5] =	stream.linear.scatter [tilespmem:s7], [sflag:$0x8], $0x4000, $0x38;
	[tilespmem:$0x14000] =	vst v63  }
0x131: {  	s2 =	simm.s32 $0x7  }
0x132: {  	_ =	swait.ge [sflag:s2], $0x4000  }
0x133: {  	[sflag:s2] =	ssyncset.done $0x0  }
0x134: {  	s7 =	simm.s32 $0x8;
	[sflag:s2] =	ssyncadd.s32 $0xFFFFC000  }
0x135: {  	_ =	swait.ge [sflag:s7], $0x4000  }
0x136: {  	s8 =	rddreg [dreg:$0xf]  }
0x137: {  	s28 =	rddreg [dreg:$0xe];
	s8 =	sadd.s32 $0x1, s8  }
0x138: {  	p0 =	sne.s32 s8, s28  }
.Ltmp5:
0x139: {  	_ = 	snop;
	(pc) =	sbr.rel @p0 .LBB2_1-.Ltmp5, $3  }
0x13a: {  	_ =	sdelay $0x1  }
0x13b: {  	[sflag:s7] =	ssyncset.done $0x0  }
0x13c: {  	[sflag:s7] =	ssyncadd.s32 $0xFFFFC000  }
0x13d: {  	_ =	sfence.sel $0x180000  }
0x13e: {  	[bflag:$0x0] =	sbarrier.arrive $0xFFFF  }
0x13f: {  	_ =	strace $0x90000047  }
0x140: {  	s0 =	stileid.u32;
	[bflag:$0x2] =	sbarrier.arrive $0xFFFF  }
0x141: {  	p0 =	sne.s32 s0, $0x0;
	s0 =	rddreg [dreg:$0x3]  }
0x142: {  	s0 =	sadd.s32 @!p0 $0x100000, s0  }
0x143: {  	[sflag:s0] =	ssyncadd.tile.s32 @!p0 $0x1;
	_ =	shalt  }
.Lfunc_end2:
_tile_overlayer_lowered:
.L_overlay_start_2:
0x144: {  	(tag) =	ssettag $0x2  }
0x145: {  	s0 =	rddreg [dreg:$0x0];
	s2 =	stileid.u32  }
0x146: {  	s1 =	rddreg [dreg:$0x1];
	p0 =	sne.s32 s2, $0x0  }
0x147: {  	s3 =	rddreg [dreg:$0x2];
	[bflag:$0x3] =	sbarrier.arrive $0xFFFF;
	s2 =	simm.s32 @!p0 $0x1C09  }
0x148: {  	[timem:s3], [sflag:s2] =	dma.local @!p0 [hbm:s0], s1  }
0x149: {  	s0 =	simm.s32 @!p0 $0x9  }
0x14a: {  	_ =	swait.ge @!p0 [sflag:s0], s1  }
0x14b: {  	s1 =	ssub.s32 @!p0 $0x0, s1;
	[sflag:s0] =	ssyncset.done @!p0 $0x0  }
0x14c: {  	[sflag:s0] =	ssyncadd.s32 @!p0 s1  }
0x14d: {  	[bflag:$0x3] =	sbarrier.arrive $0xFFFF  }
0x14e: {  	_ =	shalt  }

</sc_bundles>
